<compile_context>
chip_gen: v7x
topology: tpu7x:2x2x1
jax: 0.10.2.dev20260603
libtpu: 0.0.44.dev20260713+nightly
codegen_flags: <defaults>
</compile_context>

<pallas_src>
import functools

import jax
import jax.numpy as jnp
from jax import lax
from jax.experimental import pallas as pl
from jax.experimental.pallas import tpu as pltpu
from jax.experimental.pallas import tpu_sc as plsc

B = 16384
D_IN = 64
D_EMB = 2 * D_IN
NC = 2
NS = 16
NW = NC * NS
SUB = 128
NJ = B // (NW * SUB)
PW = NJ * SUB

BM = 8192
NB = B // BM
TCC = 128


def _sc_gather_body(table_hbm, lem_hbm, w_hbm, idx_v, rows_v,
                    sem_i, sem_g0, sem_g1, sem_w0, sem_w1):
    wid = lax.axis_index("s") * NC + lax.axis_index("c")
    base = wid * PW
    gsems = (sem_g0, sem_g1)
    wsems = (sem_w0, sem_w1)

    idx_copies = [
        pltpu.async_copy(lem_hbm.at[pl.ds(base + j * SUB, SUB)],
                         idx_v.at[j], sem_i)
        for j in range(NJ)
    ]
    for c in idx_copies:
        c.wait()

    def gather(j, b):
        return pltpu.async_copy(table_hbm.at[idx_v.at[j]], rows_v.at[b],
                                gsems[b])

    def writeback(j, b):
        return pltpu.async_copy(rows_v.at[b],
                                w_hbm.at[pl.ds(base + j * SUB, SUB)],
                                wsems[b])

    g = {0: gather(0, 0)}
    w = {}
    for j in range(NJ):
        b = j % 2
        g[j].wait()
        w[j] = writeback(j, b)
        if j + 1 < NJ:
            if j - 1 >= 0:
                w[j - 1].wait()
            g[j + 1] = gather(j + 1, (j + 1) % 2)
    w[NJ - 2].wait()
    w[NJ - 1].wait()


def _tc_dot_body(w_ref, e1t_ref, e2t_ref, o_ref):
    eye = (lax.broadcasted_iota(jnp.int32, (TCC, TCC), 0)
           == lax.broadcasted_iota(jnp.int32, (TCC, TCC), 1)).astype(jnp.float32)
    outs = []
    for c in range(BM // TCC):
        sl = pl.ds(c * TCC, TCC)
        wc = w_ref[sl, :]
        m = (jnp.dot(wc[:, :D_IN], e1t_ref[:, sl],
                     preferred_element_type=jnp.float32)
             + jnp.dot(wc[:, D_IN:], e2t_ref[:, sl],
                       preferred_element_type=jnp.float32))
        outs.append(jnp.sum(m * eye, axis=0))
    s = jnp.concatenate(outs)
    o_ref[...] = 1.0 / (1.0 + jnp.exp(-s))


@jax.jit
def _run(lemma_embs, lemmas, e1t, e2t):
    mesh = plsc.VectorSubcoreMesh(core_axis_name="c", subcore_axis_name="s")
    gathered = functools.partial(
        pl.kernel,
        mesh=mesh,
        compiler_params=pltpu.CompilerParams(needs_layout_passes=False),
        out_type=jax.ShapeDtypeStruct((B, D_EMB), jnp.float32),
        scratch_types=[
            pltpu.VMEM((NJ, SUB), jnp.int32),
            pltpu.VMEM((2, SUB, D_EMB), jnp.float32),
            pltpu.SemaphoreType.DMA,
            pltpu.SemaphoreType.DMA,
            pltpu.SemaphoreType.DMA,
            pltpu.SemaphoreType.DMA,
            pltpu.SemaphoreType.DMA,
        ],
    )(_sc_gather_body)(lemma_embs, lemmas)

    return pl.pallas_call(
        _tc_dot_body,
        grid=(NB,),
        in_specs=[
            pl.BlockSpec((BM, D_EMB), lambda i: (i, 0)),
            pl.BlockSpec((D_IN, BM), lambda i: (0, i)),
            pl.BlockSpec((D_IN, BM), lambda i: (0, i)),
        ],
        out_specs=pl.BlockSpec((BM,), lambda i: (i,)),
        out_shape=jax.ShapeDtypeStruct((B,), jnp.float32),
    )(gathered, e1t, e2t)


def kernel(emb1, emb2, lemmas, lemma_embs):
    return _run(lemma_embs, lemmas, emb1.T, emb2.T)

# --- scband reference (transcript-rebuilt; emitter-appended) ---
"""Pipeline reference for scband-model-52630529245526 (READ-ONLY COPY).

The authoritative reference and input builder live on the scoring server;
editing this copy changes nothing except your own understanding.
"""

import jax, jax.numpy as jnp
import numpy as np

B = 16384
INPUT_DIM = 64
VOCAB = 1000
EMB_DIM = INPUT_DIM * 2


def setup_inputs(seed: int = 0) -> dict:
    key = jax.random.key(seed)
    k1, k2, k3, k4 = jax.random.split(key, 4)
    emb1 = jax.random.normal(k1, (B, INPUT_DIM), dtype=jnp.float32)
    emb2 = jax.random.normal(k2, (B, INPUT_DIM), dtype=jnp.float32)
    lemmas = jax.random.randint(k3, (B,), 0, VOCAB, dtype=jnp.int32)
    # learned embedding table: nn.Embedding(len(lemmas), input_dim * 2)
    lemma_embs = jax.random.normal(k4, (VOCAB, EMB_DIM), dtype=jnp.float32)
    return {"emb1": emb1, "emb2": emb2, "lemmas": lemmas, "lemma_embs": lemma_embs}


def reference(emb1, emb2, lemmas, lemma_embs):
    # weights = self.lemma_embs(lemmas)  -> embedding gather
    weights = jnp.take(lemma_embs, lemmas, axis=0)
    # inp = torch.cat([emb1, emb2], axis=1).float()
    inp = jnp.concatenate([emb1, emb2], axis=1).astype(jnp.float32)
    # scores = torch.sum(weights * inp, axis=1)
    scores = jnp.sum(weights * inp, axis=1)
    return jax.nn.sigmoid(scores)

if __name__ == "__main__":
    import jax
    _d = setup_inputs()
    print(jax.jit(kernel)(*tuple(_d.values())))

</pallas_src>

<mosaic_0001>
#map = affine_map<(d0, d1) -> (0, 0)>
#map1 = affine_map<(d0, d1) -> (0)>
module attributes {stable_mosaic.version = 14 : i64} {
  func.func @_sc_gather_body(%arg0: i32, %arg1: i32, %arg2: memref<1000x128xf32, #tpu.memory_space<hbm>>, %arg3: memref<16384xi32, #tpu.memory_space<hbm>>, %arg4: memref<16384x128xf32, #tpu.memory_space<hbm>>, %arg5: memref<4x128xi32, #tpu.memory_space<vmem>>, %arg6: memref<2x128x128xf32, #tpu.memory_space<vmem>>, %arg7: memref<!tpu.dma_semaphore, #tpu.memory_space<semaphore_mem>>, %arg8: memref<!tpu.dma_semaphore, #tpu.memory_space<semaphore_mem>>, %arg9: memref<!tpu.dma_semaphore, #tpu.memory_space<semaphore_mem>>, %arg10: memref<!tpu.dma_semaphore, #tpu.memory_space<semaphore_mem>>, %arg11: memref<!tpu.dma_semaphore, #tpu.memory_space<semaphore_mem>>) attributes {dimension_semantics = [#tpu.dimension_semantics<core_parallel>, #tpu.dimension_semantics<subcore_parallel>], iteration_bounds = array<i64: 2, 16>, scalar_prefetch = 0 : i64, scratch_operands = 7 : i64, tpu.core_type = #tpu.core_type<sc_vector_subcore>, window_params = [{transform_indices = #map}, {transform_indices = #map1}, {transform_indices = #map}]} {
    %mul3A = arith.constant 2 : i32
    %mul3A_0 = arith.muli %arg1, %mul3A : i32
    %add3A = arith.addi %mul3A_0, %arg0 : i32
    %mul3A_1 = arith.constant 512 : i32
    %mul3A_2 = arith.muli %add3A, %mul3A_1 : i32
    %add3A_3 = arith.constant 0 : i32
    %add3A_4 = arith.addi %mul3A_2, %add3A_3 : i32
    %dma_start3A = arith.constant 0 : i32
    %dma_start3A_5 = arith.constant 0 : i32
    %dma_start3A_6 = tpu.memref_slice %arg5[%dma_start3A, %dma_start3A_5] : memref<4x128xi32, #tpu.memory_space<vmem>> -> memref<1x128xi32, #tpu.memory_space<vmem>>
    %dma_start3A_7 = tpu.memref_squeeze %dma_start3A_6 : memref<1x128xi32, #tpu.memory_space<vmem>> -> memref<128xi32, #tpu.memory_space<vmem>>
    %dma_start3A_8 = tpu.memref_slice %arg3[%add3A_4] : memref<16384xi32, #tpu.memory_space<hbm>> -> memref<128xi32, #tpu.memory_space<hbm>>
    %dma_start3A_9 = arith.constant 0 : i32
    %dma_start3A_10 = tpu.memref_slice %arg5[%dma_start3A, %dma_start3A_9] : memref<4x128xi32, #tpu.memory_space<vmem>> -> memref<1x128xi32, #tpu.memory_space<vmem>>
    %dma_start3A_11 = tpu.memref_squeeze %dma_start3A_10 : memref<1x128xi32, #tpu.memory_space<vmem>> -> memref<128xi32, #tpu.memory_space<vmem>>
    %dma_start3A_12 = tpu.memref_slice %arg3[%add3A_4] : memref<16384xi32, #tpu.memory_space<hbm>> -> memref<128xi32, #tpu.memory_space<hbm>>
    tpu.enqueue_dma source(%dma_start3A_12 : memref<128xi32, #tpu.memory_space<hbm>>) target(%dma_start3A_11 : memref<128xi32, #tpu.memory_space<vmem>>) target_semaphore(%arg7 : memref<!tpu.dma_semaphore, #tpu.memory_space<semaphore_mem>>)
    %add3A_13 = arith.constant 128 : i32
    %add3A_14 = arith.addi %mul3A_2, %add3A_13 : i32
    %dma_start3A_15 = arith.constant 1 : i32
    %dma_start3A_16 = arith.constant 0 : i32
    %dma_start3A_17 = tpu.memref_slice %arg5[%dma_start3A_15, %dma_start3A_16] : memref<4x128xi32, #tpu.memory_space<vmem>> -> memref<1x128xi32, #tpu.memory_space<vmem>>
    %dma_start3A_18 = tpu.memref_squeeze %dma_start3A_17 : memref<1x128xi32, #tpu.memory_space<vmem>> -> memref<128xi32, #tpu.memory_space<vmem>>
    %dma_start3A_19 = tpu.memref_slice %arg3[%add3A_14] : memref<16384xi32, #tpu.memory_space<hbm>> -> memref<128xi32, #tpu.memory_space<hbm>>
    %dma_start3A_20 = arith.constant 0 : i32
    %dma_start3A_21 = tpu.memref_slice %arg5[%dma_start3A_15, %dma_start3A_20] : memref<4x128xi32, #tpu.memory_space<vmem>> -> memref<1x128xi32, #tpu.memory_space<vmem>>
    %dma_start3A_22 = tpu.memref_squeeze %dma_start3A_21 : memref<1x128xi32, #tpu.memory_space<vmem>> -> memref<128xi32, #tpu.memory_space<vmem>>
    %dma_start3A_23 = tpu.memref_slice %arg3[%add3A_14] : memref<16384xi32, #tpu.memory_space<hbm>> -> memref<128xi32, #tpu.memory_space<hbm>>
    tpu.enqueue_dma source(%dma_start3A_23 : memref<128xi32, #tpu.memory_space<hbm>>) target(%dma_start3A_22 : memref<128xi32, #tpu.memory_space<vmem>>) target_semaphore(%arg7 : memref<!tpu.dma_semaphore, #tpu.memory_space<semaphore_mem>>)
    %add3A_24 = arith.constant 256 : i32
    %add3A_25 = arith.addi %mul3A_2, %add3A_24 : i32
    %dma_start3A_26 = arith.constant 2 : i32
    %dma_start3A_27 = arith.constant 0 : i32
    %dma_start3A_28 = tpu.memref_slice %arg5[%dma_start3A_26, %dma_start3A_27] : memref<4x128xi32, #tpu.memory_space<vmem>> -> memref<1x128xi32, #tpu.memory_space<vmem>>
    %dma_start3A_29 = tpu.memref_squeeze %dma_start3A_28 : memref<1x128xi32, #tpu.memory_space<vmem>> -> memref<128xi32, #tpu.memory_space<vmem>>
    %dma_start3A_30 = tpu.memref_slice %arg3[%add3A_25] : memref<16384xi32, #tpu.memory_space<hbm>> -> memref<128xi32, #tpu.memory_space<hbm>>
    %dma_start3A_31 = arith.constant 0 : i32
    %dma_start3A_32 = tpu.memref_slice %arg5[%dma_start3A_26, %dma_start3A_31] : memref<4x128xi32, #tpu.memory_space<vmem>> -> memref<1x128xi32, #tpu.memory_space<vmem>>
    %dma_start3A_33 = tpu.memref_squeeze %dma_start3A_32 : memref<1x128xi32, #tpu.memory_space<vmem>> -> memref<128xi32, #tpu.memory_space<vmem>>
    %dma_start3A_34 = tpu.memref_slice %arg3[%add3A_25] : memref<16384xi32, #tpu.memory_space<hbm>> -> memref<128xi32, #tpu.memory_space<hbm>>
    tpu.enqueue_dma source(%dma_start3A_34 : memref<128xi32, #tpu.memory_space<hbm>>) target(%dma_start3A_33 : memref<128xi32, #tpu.memory_space<vmem>>) target_semaphore(%arg7 : memref<!tpu.dma_semaphore, #tpu.memory_space<semaphore_mem>>)
    %add3A_35 = arith.constant 384 : i32
    %add3A_36 = arith.addi %mul3A_2, %add3A_35 : i32
    %dma_start3A_37 = arith.constant 3 : i32
    %dma_start3A_38 = arith.constant 0 : i32
    %dma_start3A_39 = tpu.memref_slice %arg5[%dma_start3A_37, %dma_start3A_38] : memref<4x128xi32, #tpu.memory_space<vmem>> -> memref<1x128xi32, #tpu.memory_space<vmem>>
    %dma_start3A_40 = tpu.memref_squeeze %dma_start3A_39 : memref<1x128xi32, #tpu.memory_space<vmem>> -> memref<128xi32, #tpu.memory_space<vmem>>
    %dma_start3A_41 = tpu.memref_slice %arg3[%add3A_36] : memref<16384xi32, #tpu.memory_space<hbm>> -> memref<128xi32, #tpu.memory_space<hbm>>
    %dma_start3A_42 = arith.constant 0 : i32
    %dma_start3A_43 = tpu.memref_slice %arg5[%dma_start3A_37, %dma_start3A_42] : memref<4x128xi32, #tpu.memory_space<vmem>> -> memref<1x128xi32, #tpu.memory_space<vmem>>
    %dma_start3A_44 = tpu.memref_squeeze %dma_start3A_43 : memref<1x128xi32, #tpu.memory_space<vmem>> -> memref<128xi32, #tpu.memory_space<vmem>>
    %dma_start3A_45 = tpu.memref_slice %arg3[%add3A_36] : memref<16384xi32, #tpu.memory_space<hbm>> -> memref<128xi32, #tpu.memory_space<hbm>>
    tpu.enqueue_dma source(%dma_start3A_45 : memref<128xi32, #tpu.memory_space<hbm>>) target(%dma_start3A_44 : memref<128xi32, #tpu.memory_space<vmem>>) target_semaphore(%arg7 : memref<!tpu.dma_semaphore, #tpu.memory_space<semaphore_mem>>)
    %dma_wait3A = arith.constant 0 : i32
    %dma_wait3A_46 = arith.constant 0 : i32
    %dma_wait3A_47 = tpu.memref_slice %arg5[%dma_wait3A, %dma_wait3A_46] : memref<4x128xi32, #tpu.memory_space<vmem>> -> memref<1x128xi32, #tpu.memory_space<vmem>>
    %dma_wait3A_48 = tpu.memref_squeeze %dma_wait3A_47 : memref<1x128xi32, #tpu.memory_space<vmem>> -> memref<128xi32, #tpu.memory_space<vmem>>
    %dma_wait3A_49 = tpu.memref_slice %arg3[%add3A_4] : memref<16384xi32, #tpu.memory_space<hbm>> -> memref<128xi32, #tpu.memory_space<hbm>>
    %dma_wait3A_50 = arith.constant 0 : i32
    %dma_wait3A_51 = tpu.memref_slice %arg5[%dma_wait3A, %dma_wait3A_50] : memref<4x128xi32, #tpu.memory_space<vmem>> -> memref<1x128xi32, #tpu.memory_space<vmem>>
    %dma_wait3A_52 = tpu.memref_squeeze %dma_wait3A_51 : memref<1x128xi32, #tpu.memory_space<vmem>> -> memref<128xi32, #tpu.memory_space<vmem>>
    %dma_wait3A_53 = tpu.memref_slice %arg3[%add3A_4] : memref<16384xi32, #tpu.memory_space<hbm>> -> memref<128xi32, #tpu.memory_space<hbm>>
    tpu.wait_dma2 semaphore(%arg7 : memref<!tpu.dma_semaphore, #tpu.memory_space<semaphore_mem>>) src(%dma_wait3A_53 : memref<128xi32, #tpu.memory_space<hbm>>) dst(%dma_wait3A_52 : memref<128xi32, #tpu.memory_space<vmem>>)
    %dma_wait3A_54 = arith.constant 1 : i32
    %dma_wait3A_55 = arith.constant 0 : i32
    %dma_wait3A_56 = tpu.memref_slice %arg5[%dma_wait3A_54, %dma_wait3A_55] : memref<4x128xi32, #tpu.memory_space<vmem>> -> memref<1x128xi32, #tpu.memory_space<vmem>>
    %dma_wait3A_57 = tpu.memref_squeeze %dma_wait3A_56 : memref<1x128xi32, #tpu.memory_space<vmem>> -> memref<128xi32, #tpu.memory_space<vmem>>
    %dma_wait3A_58 = tpu.memref_slice %arg3[%add3A_14] : memref<16384xi32, #tpu.memory_space<hbm>> -> memref<128xi32, #tpu.memory_space<hbm>>
    %dma_wait3A_59 = arith.constant 0 : i32
    %dma_wait3A_60 = tpu.memref_slice %arg5[%dma_wait3A_54, %dma_wait3A_59] : memref<4x128xi32, #tpu.memory_space<vmem>> -> memref<1x128xi32, #tpu.memory_space<vmem>>
    %dma_wait3A_61 = tpu.memref_squeeze %dma_wait3A_60 : memref<1x128xi32, #tpu.memory_space<vmem>> -> memref<128xi32, #tpu.memory_space<vmem>>
    %dma_wait3A_62 = tpu.memref_slice %arg3[%add3A_14] : memref<16384xi32, #tpu.memory_space<hbm>> -> memref<128xi32, #tpu.memory_space<hbm>>
    tpu.wait_dma2 semaphore(%arg7 : memref<!tpu.dma_semaphore, #tpu.memory_space<semaphore_mem>>) src(%dma_wait3A_62 : memref<128xi32, #tpu.memory_space<hbm>>) dst(%dma_wait3A_61 : memref<128xi32, #tpu.memory_space<vmem>>)
    %dma_wait3A_63 = arith.constant 2 : i32
    %dma_wait3A_64 = arith.constant 0 : i32
    %dma_wait3A_65 = tpu.memref_slice %arg5[%dma_wait3A_63, %dma_wait3A_64] : memref<4x128xi32, #tpu.memory_space<vmem>> -> memref<1x128xi32, #tpu.memory_space<vmem>>
    %dma_wait3A_66 = tpu.memref_squeeze %dma_wait3A_65 : memref<1x128xi32, #tpu.memory_space<vmem>> -> memref<128xi32, #tpu.memory_space<vmem>>
    %dma_wait3A_67 = tpu.memref_slice %arg3[%add3A_25] : memref<16384xi32, #tpu.memory_space<hbm>> -> memref<128xi32, #tpu.memory_space<hbm>>
    %dma_wait3A_68 = arith.constant 0 : i32
    %dma_wait3A_69 = tpu.memref_slice %arg5[%dma_wait3A_63, %dma_wait3A_68] : memref<4x128xi32, #tpu.memory_space<vmem>> -> memref<1x128xi32, #tpu.memory_space<vmem>>
    %dma_wait3A_70 = tpu.memref_squeeze %dma_wait3A_69 : memref<1x128xi32, #tpu.memory_space<vmem>> -> memref<128xi32, #tpu.memory_space<vmem>>
    %dma_wait3A_71 = tpu.memref_slice %arg3[%add3A_25] : memref<16384xi32, #tpu.memory_space<hbm>> -> memref<128xi32, #tpu.memory_space<hbm>>
    tpu.wait_dma2 semaphore(%arg7 : memref<!tpu.dma_semaphore, #tpu.memory_space<semaphore_mem>>) src(%dma_wait3A_71 : memref<128xi32, #tpu.memory_space<hbm>>) dst(%dma_wait3A_70 : memref<128xi32, #tpu.memory_space<vmem>>)
    %dma_wait3A_72 = arith.constant 3 : i32
    %dma_wait3A_73 = arith.constant 0 : i32
    %dma_wait3A_74 = tpu.memref_slice %arg5[%dma_wait3A_72, %dma_wait3A_73] : memref<4x128xi32, #tpu.memory_space<vmem>> -> memref<1x128xi32, #tpu.memory_space<vmem>>
    %dma_wait3A_75 = tpu.memref_squeeze %dma_wait3A_74 : memref<1x128xi32, #tpu.memory_space<vmem>> -> memref<128xi32, #tpu.memory_space<vmem>>
    %dma_wait3A_76 = tpu.memref_slice %arg3[%add3A_36] : memref<16384xi32, #tpu.memory_space<hbm>> -> memref<128xi32, #tpu.memory_space<hbm>>
    %dma_wait3A_77 = arith.constant 0 : i32
    %dma_wait3A_78 = tpu.memref_slice %arg5[%dma_wait3A_72, %dma_wait3A_77] : memref<4x128xi32, #tpu.memory_space<vmem>> -> memref<1x128xi32, #tpu.memory_space<vmem>>
    %dma_wait3A_79 = tpu.memref_squeeze %dma_wait3A_78 : memref<1x128xi32, #tpu.memory_space<vmem>> -> memref<128xi32, #tpu.memory_space<vmem>>
    %dma_wait3A_80 = tpu.memref_slice %arg3[%add3A_36] : memref<16384xi32, #tpu.memory_space<hbm>> -> memref<128xi32, #tpu.memory_space<hbm>>
    tpu.wait_dma2 semaphore(%arg7 : memref<!tpu.dma_semaphore, #tpu.memory_space<semaphore_mem>>) src(%dma_wait3A_80 : memref<128xi32, #tpu.memory_space<hbm>>) dst(%dma_wait3A_79 : memref<128xi32, #tpu.memory_space<vmem>>)
    %dma_start3A_81 = arith.constant 0 : i32
    %dma_start3A_82 = arith.constant 0 : i32
    %dma_start3A_83 = arith.constant 0 : i32
    %dma_start3A_84 = arith.constant 0 : i32
    %dma_start3A_85 = tpu.memref_slice %arg6[%dma_start3A_82, %dma_start3A_83, %dma_start3A_84] : memref<2x128x128xf32, #tpu.memory_space<vmem>> -> memref<1x128x128xf32, #tpu.memory_space<vmem>>
    %dma_start3A_86 = tpu.memref_squeeze %dma_start3A_85 : memref<1x128x128xf32, #tpu.memory_space<vmem>> -> memref<128x128xf32, #tpu.memory_space<vmem>>
    %dma_start3A_87 = arith.constant 0 : i32
    %dma_start3A_88 = tpu.memref_slice %arg5[%dma_start3A_81, %dma_start3A_87] : memref<4x128xi32, #tpu.memory_space<vmem>> -> memref<1x128xi32, #tpu.memory_space<vmem>>
    %dma_start3A_89 = tpu.memref_squeeze %dma_start3A_88 : memref<1x128xi32, #tpu.memory_space<vmem>> -> memref<128xi32, #tpu.memory_space<vmem>>
    %dma_start3A_90 = arith.constant 0 : i32
    %dma_start3A_91 = arith.constant 0 : i32
    %dma_start3A_92 = tpu.memref_slice %arg2[%dma_start3A_90, %dma_start3A_91] : memref<1000x128xf32, #tpu.memory_space<hbm>> -> memref<1000x128xf32, #tpu.memory_space<hbm>>
    tpu.enqueue_indirect_dma source(%dma_start3A_92 : memref<1000x128xf32, #tpu.memory_space<hbm>>) target(%dma_start3A_86 : memref<128x128xf32, #tpu.memory_space<vmem>>) offsets(%dma_start3A_89 : memref<128xi32, #tpu.memory_space<vmem>>) semaphore(%arg8 : memref<!tpu.dma_semaphore, #tpu.memory_space<semaphore_mem>>)
    %dma_wait3A_93 = arith.constant 0 : i32
    %dma_wait3A_94 = arith.constant 0 : i32
    %dma_wait3A_95 = arith.constant 0 : i32
    %dma_wait3A_96 = arith.constant 0 : i32
    %dma_wait3A_97 = tpu.memref_slice %arg6[%dma_wait3A_94, %dma_wait3A_95, %dma_wait3A_96] : memref<2x128x128xf32, #tpu.memory_space<vmem>> -> memref<1x128x128xf32, #tpu.memory_space<vmem>>
    %dma_wait3A_98 = tpu.memref_squeeze %dma_wait3A_97 : memref<1x128x128xf32, #tpu.memory_space<vmem>> -> memref<128x128xf32, #tpu.memory_space<vmem>>
    %dma_wait3A_99 = arith.constant 0 : i32
    %dma_wait3A_100 = tpu.memref_slice %arg5[%dma_wait3A_93, %dma_wait3A_99] : memref<4x128xi32, #tpu.memory_space<vmem>> -> memref<1x128xi32, #tpu.memory_space<vmem>>
    %dma_wait3A_101 = tpu.memref_squeeze %dma_wait3A_100 : memref<1x128xi32, #tpu.memory_space<vmem>> -> memref<128xi32, #tpu.memory_space<vmem>>
    %dma_wait3A_102 = arith.constant 0 : i32
    %dma_wait3A_103 = arith.constant 0 : i32
    %dma_wait3A_104 = tpu.memref_slice %arg2[%dma_wait3A_102, %dma_wait3A_103] : memref<1000x128xf32, #tpu.memory_space<hbm>> -> memref<1000x128xf32, #tpu.memory_space<hbm>>
    tpu.wait_indirect_dma semaphore(%arg8 : memref<!tpu.dma_semaphore, #tpu.memory_space<semaphore_mem>>) src(%dma_wait3A_104 : memref<1000x128xf32, #tpu.memory_space<hbm>>) dst(%dma_wait3A_98 : memref<128x128xf32, #tpu.memory_space<vmem>>)
    %add3A_105 = arith.constant 0 : i32
    %add3A_106 = arith.addi %mul3A_2, %add3A_105 : i32
    %dma_start3A_107 = arith.constant 0 : i32
    %dma_start3A_108 = arith.constant 0 : i32
    %dma_start3A_109 = arith.constant 0 : i32
    %dma_start3A_110 = tpu.memref_slice %arg6[%dma_start3A_107, %dma_start3A_108, %dma_start3A_109] : memref<2x128x128xf32, #tpu.memory_space<vmem>> -> memref<1x128x128xf32, #tpu.memory_space<vmem>>
    %dma_start3A_111 = tpu.memref_squeeze %dma_start3A_110 : memref<1x128x128xf32, #tpu.memory_space<vmem>> -> memref<128x128xf32, #tpu.memory_space<vmem>>
    %dma_start3A_112 = arith.constant 0 : i32
    %dma_start3A_113 = tpu.memref_slice %arg4[%add3A_106, %dma_start3A_112] : memref<16384x128xf32, #tpu.memory_space<hbm>> -> memref<128x128xf32, #tpu.memory_space<hbm>>
    %dma_start3A_114 = arith.constant 0 : i32
    %dma_start3A_115 = tpu.memref_slice %arg4[%add3A_106, %dma_start3A_114] : memref<16384x128xf32, #tpu.memory_space<hbm>> -> memref<128x128xf32, #tpu.memory_space<hbm>>
    %dma_start3A_116 = arith.constant 0 : i32
    %dma_start3A_117 = arith.constant 0 : i32
    %dma_start3A_118 = tpu.memref_slice %arg6[%dma_start3A_107, %dma_start3A_116, %dma_start3A_117] : memref<2x128x128xf32, #tpu.memory_space<vmem>> -> memref<1x128x128xf32, #tpu.memory_space<vmem>>
    %dma_start3A_119 = tpu.memref_squeeze %dma_start3A_118 : memref<1x128x128xf32, #tpu.memory_space<vmem>> -> memref<128x128xf32, #tpu.memory_space<vmem>>
    tpu.enqueue_dma source(%dma_start3A_119 : memref<128x128xf32, #tpu.memory_space<vmem>>) target(%dma_start3A_115 : memref<128x128xf32, #tpu.memory_space<hbm>>) target_semaphore(%arg10 : memref<!tpu.dma_semaphore, #tpu.memory_space<semaphore_mem>>)
    %dma_start3A_120 = arith.constant 1 : i32
    %dma_start3A_121 = arith.constant 1 : i32
    %dma_start3A_122 = arith.constant 0 : i32
    %dma_start3A_123 = arith.constant 0 : i32
    %dma_start3A_124 = tpu.memref_slice %arg6[%dma_start3A_121, %dma_start3A_122, %dma_start3A_123] : memref<2x128x128xf32, #tpu.memory_space<vmem>> -> memref<1x128x128xf32, #tpu.memory_space<vmem>>
    %dma_start3A_125 = tpu.memref_squeeze %dma_start3A_124 : memref<1x128x128xf32, #tpu.memory_space<vmem>> -> memref<128x128xf32, #tpu.memory_space<vmem>>
    %dma_start3A_126 = arith.constant 0 : i32
    %dma_start3A_127 = tpu.memref_slice %arg5[%dma_start3A_120, %dma_start3A_126] : memref<4x128xi32, #tpu.memory_space<vmem>> -> memref<1x128xi32, #tpu.memory_space<vmem>>
    %dma_start3A_128 = tpu.memref_squeeze %dma_start3A_127 : memref<1x128xi32, #tpu.memory_space<vmem>> -> memref<128xi32, #tpu.memory_space<vmem>>
    %dma_start3A_129 = arith.constant 0 : i32
    %dma_start3A_130 = arith.constant 0 : i32
    %dma_start3A_131 = tpu.memref_slice %arg2[%dma_start3A_129, %dma_start3A_130] : memref<1000x128xf32, #tpu.memory_space<hbm>> -> memref<1000x128xf32, #tpu.memory_space<hbm>>
    tpu.enqueue_indirect_dma source(%dma_start3A_131 : memref<1000x128xf32, #tpu.memory_space<hbm>>) target(%dma_start3A_125 : memref<128x128xf32, #tpu.memory_space<vmem>>) offsets(%dma_start3A_128 : memref<128xi32, #tpu.memory_space<vmem>>) semaphore(%arg9 : memref<!tpu.dma_semaphore, #tpu.memory_space<semaphore_mem>>)
    %dma_wait3A_132 = arith.constant 1 : i32
    %dma_wait3A_133 = arith.constant 1 : i32
    %dma_wait3A_134 = arith.constant 0 : i32
    %dma_wait3A_135 = arith.constant 0 : i32
    %dma_wait3A_136 = tpu.memref_slice %arg6[%dma_wait3A_133, %dma_wait3A_134, %dma_wait3A_135] : memref<2x128x128xf32, #tpu.memory_space<vmem>> -> memref<1x128x128xf32, #tpu.memory_space<vmem>>
    %dma_wait3A_137 = tpu.memref_squeeze %dma_wait3A_136 : memref<1x128x128xf32, #tpu.memory_space<vmem>> -> memref<128x128xf32, #tpu.memory_space<vmem>>
    %dma_wait3A_138 = arith.constant 0 : i32
    %dma_wait3A_139 = tpu.memref_slice %arg5[%dma_wait3A_132, %dma_wait3A_138] : memref<4x128xi32, #tpu.memory_space<vmem>> -> memref<1x128xi32, #tpu.memory_space<vmem>>
    %dma_wait3A_140 = tpu.memref_squeeze %dma_wait3A_139 : memref<1x128xi32, #tpu.memory_space<vmem>> -> memref<128xi32, #tpu.memory_space<vmem>>
    %dma_wait3A_141 = arith.constant 0 : i32
    %dma_wait3A_142 = arith.constant 0 : i32
    %dma_wait3A_143 = tpu.memref_slice %arg2[%dma_wait3A_141, %dma_wait3A_142] : memref<1000x128xf32, #tpu.memory_space<hbm>> -> memref<1000x128xf32, #tpu.memory_space<hbm>>
    tpu.wait_indirect_dma semaphore(%arg9 : memref<!tpu.dma_semaphore, #tpu.memory_space<semaphore_mem>>) src(%dma_wait3A_143 : memref<1000x128xf32, #tpu.memory_space<hbm>>) dst(%dma_wait3A_137 : memref<128x128xf32, #tpu.memory_space<vmem>>)
    %add3A_144 = arith.constant 128 : i32
    %add3A_145 = arith.addi %mul3A_2, %add3A_144 : i32
    %dma_start3A_146 = arith.constant 1 : i32
    %dma_start3A_147 = arith.constant 0 : i32
    %dma_start3A_148 = arith.constant 0 : i32
    %dma_start3A_149 = tpu.memref_slice %arg6[%dma_start3A_146, %dma_start3A_147, %dma_start3A_148] : memref<2x128x128xf32, #tpu.memory_space<vmem>> -> memref<1x128x128xf32, #tpu.memory_space<vmem>>
    %dma_start3A_150 = tpu.memref_squeeze %dma_start3A_149 : memref<1x128x128xf32, #tpu.memory_space<vmem>> -> memref<128x128xf32, #tpu.memory_space<vmem>>
    %dma_start3A_151 = arith.constant 0 : i32
    %dma_start3A_152 = tpu.memref_slice %arg4[%add3A_145, %dma_start3A_151] : memref<16384x128xf32, #tpu.memory_space<hbm>> -> memref<128x128xf32, #tpu.memory_space<hbm>>
    %dma_start3A_153 = arith.constant 0 : i32
    %dma_start3A_154 = tpu.memref_slice %arg4[%add3A_145, %dma_start3A_153] : memref<16384x128xf32, #tpu.memory_space<hbm>> -> memref<128x128xf32, #tpu.memory_space<hbm>>
    %dma_start3A_155 = arith.constant 0 : i32
    %dma_start3A_156 = arith.constant 0 : i32
    %dma_start3A_157 = tpu.memref_slice %arg6[%dma_start3A_146, %dma_start3A_155, %dma_start3A_156] : memref<2x128x128xf32, #tpu.memory_space<vmem>> -> memref<1x128x128xf32, #tpu.memory_space<vmem>>
    %dma_start3A_158 = tpu.memref_squeeze %dma_start3A_157 : memref<1x128x128xf32, #tpu.memory_space<vmem>> -> memref<128x128xf32, #tpu.memory_space<vmem>>
    tpu.enqueue_dma source(%dma_start3A_158 : memref<128x128xf32, #tpu.memory_space<vmem>>) target(%dma_start3A_154 : memref<128x128xf32, #tpu.memory_space<hbm>>) target_semaphore(%arg11 : memref<!tpu.dma_semaphore, #tpu.memory_space<semaphore_mem>>)
    %dma_wait3A_159 = arith.constant 0 : i32
    %dma_wait3A_160 = arith.constant 0 : i32
    %dma_wait3A_161 = arith.constant 0 : i32
    %dma_wait3A_162 = tpu.memref_slice %arg6[%dma_wait3A_159, %dma_wait3A_160, %dma_wait3A_161] : memref<2x128x128xf32, #tpu.memory_space<vmem>> -> memref<1x128x128xf32, #tpu.memory_space<vmem>>
    %dma_wait3A_163 = tpu.memref_squeeze %dma_wait3A_162 : memref<1x128x128xf32, #tpu.memory_space<vmem>> -> memref<128x128xf32, #tpu.memory_space<vmem>>
    %dma_wait3A_164 = arith.constant 0 : i32
    %dma_wait3A_165 = tpu.memref_slice %arg4[%add3A_106, %dma_wait3A_164] : memref<16384x128xf32, #tpu.memory_space<hbm>> -> memref<128x128xf32, #tpu.memory_space<hbm>>
    %dma_wait3A_166 = arith.constant 0 : i32
    %dma_wait3A_167 = tpu.memref_slice %arg4[%add3A_106, %dma_wait3A_166] : memref<16384x128xf32, #tpu.memory_space<hbm>> -> memref<128x128xf32, #tpu.memory_space<hbm>>
    %dma_wait3A_168 = arith.constant 0 : i32
    %dma_wait3A_169 = arith.constant 0 : i32
    %dma_wait3A_170 = tpu.memref_slice %arg6[%dma_wait3A_159, %dma_wait3A_168, %dma_wait3A_169] : memref<2x128x128xf32, #tpu.memory_space<vmem>> -> memref<1x128x128xf32, #tpu.memory_space<vmem>>
    %dma_wait3A_171 = tpu.memref_squeeze %dma_wait3A_170 : memref<1x128x128xf32, #tpu.memory_space<vmem>> -> memref<128x128xf32, #tpu.memory_space<vmem>>
    tpu.wait_dma2 semaphore(%arg10 : memref<!tpu.dma_semaphore, #tpu.memory_space<semaphore_mem>>) src(%dma_wait3A_171 : memref<128x128xf32, #tpu.memory_space<vmem>>) dst(%dma_wait3A_167 : memref<128x128xf32, #tpu.memory_space<hbm>>)
    %dma_start3A_172 = arith.constant 2 : i32
    %dma_start3A_173 = arith.constant 0 : i32
    %dma_start3A_174 = arith.constant 0 : i32
    %dma_start3A_175 = arith.constant 0 : i32
    %dma_start3A_176 = tpu.memref_slice %arg6[%dma_start3A_173, %dma_start3A_174, %dma_start3A_175] : memref<2x128x128xf32, #tpu.memory_space<vmem>> -> memref<1x128x128xf32, #tpu.memory_space<vmem>>
    %dma_start3A_177 = tpu.memref_squeeze %dma_start3A_176 : memref<1x128x128xf32, #tpu.memory_space<vmem>> -> memref<128x128xf32, #tpu.memory_space<vmem>>
    %dma_start3A_178 = arith.constant 0 : i32
    %dma_start3A_179 = tpu.memref_slice %arg5[%dma_start3A_172, %dma_start3A_178] : memref<4x128xi32, #tpu.memory_space<vmem>> -> memref<1x128xi32, #tpu.memory_space<vmem>>
    %dma_start3A_180 = tpu.memref_squeeze %dma_start3A_179 : memref<1x128xi32, #tpu.memory_space<vmem>> -> memref<128xi32, #tpu.memory_space<vmem>>
    %dma_start3A_181 = arith.constant 0 : i32
    %dma_start3A_182 = arith.constant 0 : i32
    %dma_start3A_183 = tpu.memref_slice %arg2[%dma_start3A_181, %dma_start3A_182] : memref<1000x128xf32, #tpu.memory_space<hbm>> -> memref<1000x128xf32, #tpu.memory_space<hbm>>
    tpu.enqueue_indirect_dma source(%dma_start3A_183 : memref<1000x128xf32, #tpu.memory_space<hbm>>) target(%dma_start3A_177 : memref<128x128xf32, #tpu.memory_space<vmem>>) offsets(%dma_start3A_180 : memref<128xi32, #tpu.memory_space<vmem>>) semaphore(%arg8 : memref<!tpu.dma_semaphore, #tpu.memory_space<semaphore_mem>>)
    %dma_wait3A_184 = arith.constant 2 : i32
    %dma_wait3A_185 = arith.constant 0 : i32
    %dma_wait3A_186 = arith.constant 0 : i32
    %dma_wait3A_187 = arith.constant 0 : i32
    %dma_wait3A_188 = tpu.memref_slice %arg6[%dma_wait3A_185, %dma_wait3A_186, %dma_wait3A_187] : memref<2x128x128xf32, #tpu.memory_space<vmem>> -> memref<1x128x128xf32, #tpu.memory_space<vmem>>
    %dma_wait3A_189 = tpu.memref_squeeze %dma_wait3A_188 : memref<1x128x128xf32, #tpu.memory_space<vmem>> -> memref<128x128xf32, #tpu.memory_space<vmem>>
    %dma_wait3A_190 = arith.constant 0 : i32
    %dma_wait3A_191 = tpu.memref_slice %arg5[%dma_wait3A_184, %dma_wait3A_190] : memref<4x128xi32, #tpu.memory_space<vmem>> -> memref<1x128xi32, #tpu.memory_space<vmem>>
    %dma_wait3A_192 = tpu.memref_squeeze %dma_wait3A_191 : memref<1x128xi32, #tpu.memory_space<vmem>> -> memref<128xi32, #tpu.memory_space<vmem>>
    %dma_wait3A_193 = arith.constant 0 : i32
    %dma_wait3A_194 = arith.constant 0 : i32
    %dma_wait3A_195 = tpu.memref_slice %arg2[%dma_wait3A_193, %dma_wait3A_194] : memref<1000x128xf32, #tpu.memory_space<hbm>> -> memref<1000x128xf32, #tpu.memory_space<hbm>>
    tpu.wait_indirect_dma semaphore(%arg8 : memref<!tpu.dma_semaphore, #tpu.memory_space<semaphore_mem>>) src(%dma_wait3A_195 : memref<1000x128xf32, #tpu.memory_space<hbm>>) dst(%dma_wait3A_189 : memref<128x128xf32, #tpu.memory_space<vmem>>)
    %add3A_196 = arith.constant 256 : i32
    %add3A_197 = arith.addi %mul3A_2, %add3A_196 : i32
    %dma_start3A_198 = arith.constant 0 : i32
    %dma_start3A_199 = arith.constant 0 : i32
    %dma_start3A_200 = arith.constant 0 : i32
    %dma_start3A_201 = tpu.memref_slice %arg6[%dma_start3A_198, %dma_start3A_199, %dma_start3A_200] : memref<2x128x128xf32, #tpu.memory_space<vmem>> -> memref<1x128x128xf32, #tpu.memory_space<vmem>>
    %dma_start3A_202 = tpu.memref_squeeze %dma_start3A_201 : memref<1x128x128xf32, #tpu.memory_space<vmem>> -> memref<128x128xf32, #tpu.memory_space<vmem>>
    %dma_start3A_203 = arith.constant 0 : i32
    %dma_start3A_204 = tpu.memref_slice %arg4[%add3A_197, %dma_start3A_203] : memref<16384x128xf32, #tpu.memory_space<hbm>> -> memref<128x128xf32, #tpu.memory_space<hbm>>
    %dma_start3A_205 = arith.constant 0 : i32
    %dma_start3A_206 = tpu.memref_slice %arg4[%add3A_197, %dma_start3A_205] : memref<16384x128xf32, #tpu.memory_space<hbm>> -> memref<128x128xf32, #tpu.memory_space<hbm>>
    %dma_start3A_207 = arith.constant 0 : i32
    %dma_start3A_208 = arith.constant 0 : i32
    %dma_start3A_209 = tpu.memref_slice %arg6[%dma_start3A_198, %dma_start3A_207, %dma_start3A_208] : memref<2x128x128xf32, #tpu.memory_space<vmem>> -> memref<1x128x128xf32, #tpu.memory_space<vmem>>
    %dma_start3A_210 = tpu.memref_squeeze %dma_start3A_209 : memref<1x128x128xf32, #tpu.memory_space<vmem>> -> memref<128x128xf32, #tpu.memory_space<vmem>>
    tpu.enqueue_dma source(%dma_start3A_210 : memref<128x128xf32, #tpu.memory_space<vmem>>) target(%dma_start3A_206 : memref<128x128xf32, #tpu.memory_space<hbm>>) target_semaphore(%arg10 : memref<!tpu.dma_semaphore, #tpu.memory_space<semaphore_mem>>)
    %dma_wait3A_211 = arith.constant 1 : i32
    %dma_wait3A_212 = arith.constant 0 : i32
    %dma_wait3A_213 = arith.constant 0 : i32
    %dma_wait3A_214 = tpu.memref_slice %arg6[%dma_wait3A_211, %dma_wait3A_212, %dma_wait3A_213] : memref<2x128x128xf32, #tpu.memory_space<vmem>> -> memref<1x128x128xf32, #tpu.memory_space<vmem>>
    %dma_wait3A_215 = tpu.memref_squeeze %dma_wait3A_214 : memref<1x128x128xf32, #tpu.memory_space<vmem>> -> memref<128x128xf32, #tpu.memory_space<vmem>>
    %dma_wait3A_216 = arith.constant 0 : i32
    %dma_wait3A_217 = tpu.memref_slice %arg4[%add3A_145, %dma_wait3A_216] : memref<16384x128xf32, #tpu.memory_space<hbm>> -> memref<128x128xf32, #tpu.memory_space<hbm>>
    %dma_wait3A_218 = arith.constant 0 : i32
    %dma_wait3A_219 = tpu.memref_slice %arg4[%add3A_145, %dma_wait3A_218] : memref<16384x128xf32, #tpu.memory_space<hbm>> -> memref<128x128xf32, #tpu.memory_space<hbm>>
    %dma_wait3A_220 = arith.constant 0 : i32
    %dma_wait3A_221 = arith.constant 0 : i32
    %dma_wait3A_222 = tpu.memref_slice %arg6[%dma_wait3A_211, %dma_wait3A_220, %dma_wait3A_221] : memref<2x128x128xf32, #tpu.memory_space<vmem>> -> memref<1x128x128xf32, #tpu.memory_space<vmem>>
    %dma_wait3A_223 = tpu.memref_squeeze %dma_wait3A_222 : memref<1x128x128xf32, #tpu.memory_space<vmem>> -> memref<128x128xf32, #tpu.memory_space<vmem>>
    tpu.wait_dma2 semaphore(%arg11 : memref<!tpu.dma_semaphore, #tpu.memory_space<semaphore_mem>>) src(%dma_wait3A_223 : memref<128x128xf32, #tpu.memory_space<vmem>>) dst(%dma_wait3A_219 : memref<128x128xf32, #tpu.memory_space<hbm>>)
    %dma_start3A_224 = arith.constant 3 : i32
    %dma_start3A_225 = arith.constant 1 : i32
    %dma_start3A_226 = arith.constant 0 : i32
    %dma_start3A_227 = arith.constant 0 : i32
    %dma_start3A_228 = tpu.memref_slice %arg6[%dma_start3A_225, %dma_start3A_226, %dma_start3A_227] : memref<2x128x128xf32, #tpu.memory_space<vmem>> -> memref<1x128x128xf32, #tpu.memory_space<vmem>>
    %dma_start3A_229 = tpu.memref_squeeze %dma_start3A_228 : memref<1x128x128xf32, #tpu.memory_space<vmem>> -> memref<128x128xf32, #tpu.memory_space<vmem>>
    %dma_start3A_230 = arith.constant 0 : i32
    %dma_start3A_231 = tpu.memref_slice %arg5[%dma_start3A_224, %dma_start3A_230] : memref<4x128xi32, #tpu.memory_space<vmem>> -> memref<1x128xi32, #tpu.memory_space<vmem>>
    %dma_start3A_232 = tpu.memref_squeeze %dma_start3A_231 : memref<1x128xi32, #tpu.memory_space<vmem>> -> memref<128xi32, #tpu.memory_space<vmem>>
    %dma_start3A_233 = arith.constant 0 : i32
    %dma_start3A_234 = arith.constant 0 : i32
    %dma_start3A_235 = tpu.memref_slice %arg2[%dma_start3A_233, %dma_start3A_234] : memref<1000x128xf32, #tpu.memory_space<hbm>> -> memref<1000x128xf32, #tpu.memory_space<hbm>>
    tpu.enqueue_indirect_dma source(%dma_start3A_235 : memref<1000x128xf32, #tpu.memory_space<hbm>>) target(%dma_start3A_229 : memref<128x128xf32, #tpu.memory_space<vmem>>) offsets(%dma_start3A_232 : memref<128xi32, #tpu.memory_space<vmem>>) semaphore(%arg9 : memref<!tpu.dma_semaphore, #tpu.memory_space<semaphore_mem>>)
    %dma_wait3A_236 = arith.constant 3 : i32
    %dma_wait3A_237 = arith.constant 1 : i32
    %dma_wait3A_238 = arith.constant 0 : i32
    %dma_wait3A_239 = arith.constant 0 : i32
    %dma_wait3A_240 = tpu.memref_slice %arg6[%dma_wait3A_237, %dma_wait3A_238, %dma_wait3A_239] : memref<2x128x128xf32, #tpu.memory_space<vmem>> -> memref<1x128x128xf32, #tpu.memory_space<vmem>>
    %dma_wait3A_241 = tpu.memref_squeeze %dma_wait3A_240 : memref<1x128x128xf32, #tpu.memory_space<vmem>> -> memref<128x128xf32, #tpu.memory_space<vmem>>
    %dma_wait3A_242 = arith.constant 0 : i32
    %dma_wait3A_243 = tpu.memref_slice %arg5[%dma_wait3A_236, %dma_wait3A_242] : memref<4x128xi32, #tpu.memory_space<vmem>> -> memref<1x128xi32, #tpu.memory_space<vmem>>
    %dma_wait3A_244 = tpu.memref_squeeze %dma_wait3A_243 : memref<1x128xi32, #tpu.memory_space<vmem>> -> memref<128xi32, #tpu.memory_space<vmem>>
    %dma_wait3A_245 = arith.constant 0 : i32
    %dma_wait3A_246 = arith.constant 0 : i32
    %dma_wait3A_247 = tpu.memref_slice %arg2[%dma_wait3A_245, %dma_wait3A_246] : memref<1000x128xf32, #tpu.memory_space<hbm>> -> memref<1000x128xf32, #tpu.memory_space<hbm>>
    tpu.wait_indirect_dma semaphore(%arg9 : memref<!tpu.dma_semaphore, #tpu.memory_space<semaphore_mem>>) src(%dma_wait3A_247 : memref<1000x128xf32, #tpu.memory_space<hbm>>) dst(%dma_wait3A_241 : memref<128x128xf32, #tpu.memory_space<vmem>>)
    %add3A_248 = arith.constant 384 : i32
    %add3A_249 = arith.addi %mul3A_2, %add3A_248 : i32
    %dma_start3A_250 = arith.constant 1 : i32
    %dma_start3A_251 = arith.constant 0 : i32
    %dma_start3A_252 = arith.constant 0 : i32
    %dma_start3A_253 = tpu.memref_slice %arg6[%dma_start3A_250, %dma_start3A_251, %dma_start3A_252] : memref<2x128x128xf32, #tpu.memory_space<vmem>> -> memref<1x128x128xf32, #tpu.memory_space<vmem>>
    %dma_start3A_254 = tpu.memref_squeeze %dma_start3A_253 : memref<1x128x128xf32, #tpu.memory_space<vmem>> -> memref<128x128xf32, #tpu.memory_space<vmem>>
    %dma_start3A_255 = arith.constant 0 : i32
    %dma_start3A_256 = tpu.memref_slice %arg4[%add3A_249, %dma_start3A_255] : memref<16384x128xf32, #tpu.memory_space<hbm>> -> memref<128x128xf32, #tpu.memory_space<hbm>>
    %dma_start3A_257 = arith.constant 0 : i32
    %dma_start3A_258 = tpu.memref_slice %arg4[%add3A_249, %dma_start3A_257] : memref<16384x128xf32, #tpu.memory_space<hbm>> -> memref<128x128xf32, #tpu.memory_space<hbm>>
    %dma_start3A_259 = arith.constant 0 : i32
    %dma_start3A_260 = arith.constant 0 : i32
    %dma_start3A_261 = tpu.memref_slice %arg6[%dma_start3A_250, %dma_start3A_259, %dma_start3A_260] : memref<2x128x128xf32, #tpu.memory_space<vmem>> -> memref<1x128x128xf32, #tpu.memory_space<vmem>>
    %dma_start3A_262 = tpu.memref_squeeze %dma_start3A_261 : memref<1x128x128xf32, #tpu.memory_space<vmem>> -> memref<128x128xf32, #tpu.memory_space<vmem>>
    tpu.enqueue_dma source(%dma_start3A_262 : memref<128x128xf32, #tpu.memory_space<vmem>>) target(%dma_start3A_258 : memref<128x128xf32, #tpu.memory_space<hbm>>) target_semaphore(%arg11 : memref<!tpu.dma_semaphore, #tpu.memory_space<semaphore_mem>>)
    %dma_wait3A_263 = arith.constant 0 : i32
    %dma_wait3A_264 = arith.constant 0 : i32
    %dma_wait3A_265 = arith.constant 0 : i32
    %dma_wait3A_266 = tpu.memref_slice %arg6[%dma_wait3A_263, %dma_wait3A_264, %dma_wait3A_265] : memref<2x128x128xf32, #tpu.memory_space<vmem>> -> memref<1x128x128xf32, #tpu.memory_space<vmem>>
    %dma_wait3A_267 = tpu.memref_squeeze %dma_wait3A_266 : memref<1x128x128xf32, #tpu.memory_space<vmem>> -> memref<128x128xf32, #tpu.memory_space<vmem>>
    %dma_wait3A_268 = arith.constant 0 : i32
    %dma_wait3A_269 = tpu.memref_slice %arg4[%add3A_197, %dma_wait3A_268] : memref<16384x128xf32, #tpu.memory_space<hbm>> -> memref<128x128xf32, #tpu.memory_space<hbm>>
    %dma_wait3A_270 = arith.constant 0 : i32
    %dma_wait3A_271 = tpu.memref_slice %arg4[%add3A_197, %dma_wait3A_270] : memref<16384x128xf32, #tpu.memory_space<hbm>> -> memref<128x128xf32, #tpu.memory_space<hbm>>
    %dma_wait3A_272 = arith.constant 0 : i32
    %dma_wait3A_273 = arith.constant 0 : i32
    %dma_wait3A_274 = tpu.memref_slice %arg6[%dma_wait3A_263, %dma_wait3A_272, %dma_wait3A_273] : memref<2x128x128xf32, #tpu.memory_space<vmem>> -> memref<1x128x128xf32, #tpu.memory_space<vmem>>
    %dma_wait3A_275 = tpu.memref_squeeze %dma_wait3A_274 : memref<1x128x128xf32, #tpu.memory_space<vmem>> -> memref<128x128xf32, #tpu.memory_space<vmem>>
    tpu.wait_dma2 semaphore(%arg10 : memref<!tpu.dma_semaphore, #tpu.memory_space<semaphore_mem>>) src(%dma_wait3A_275 : memref<128x128xf32, #tpu.memory_space<vmem>>) dst(%dma_wait3A_271 : memref<128x128xf32, #tpu.memory_space<hbm>>)
    %dma_wait3A_276 = arith.constant 1 : i32
    %dma_wait3A_277 = arith.constant 0 : i32
    %dma_wait3A_278 = arith.constant 0 : i32
    %dma_wait3A_279 = tpu.memref_slice %arg6[%dma_wait3A_276, %dma_wait3A_277, %dma_wait3A_278] : memref<2x128x128xf32, #tpu.memory_space<vmem>> -> memref<1x128x128xf32, #tpu.memory_space<vmem>>
    %dma_wait3A_280 = tpu.memref_squeeze %dma_wait3A_279 : memref<1x128x128xf32, #tpu.memory_space<vmem>> -> memref<128x128xf32, #tpu.memory_space<vmem>>
    %dma_wait3A_281 = arith.constant 0 : i32
    %dma_wait3A_282 = tpu.memref_slice %arg4[%add3A_249, %dma_wait3A_281] : memref<16384x128xf32, #tpu.memory_space<hbm>> -> memref<128x128xf32, #tpu.memory_space<hbm>>
    %dma_wait3A_283 = arith.constant 0 : i32
    %dma_wait3A_284 = tpu.memref_slice %arg4[%add3A_249, %dma_wait3A_283] : memref<16384x128xf32, #tpu.memory_space<hbm>> -> memref<128x128xf32, #tpu.memory_space<hbm>>
    %dma_wait3A_285 = arith.constant 0 : i32
    %dma_wait3A_286 = arith.constant 0 : i32
    %dma_wait3A_287 = tpu.memref_slice %arg6[%dma_wait3A_276, %dma_wait3A_285, %dma_wait3A_286] : memref<2x128x128xf32, #tpu.memory_space<vmem>> -> memref<1x128x128xf32, #tpu.memory_space<vmem>>
    %dma_wait3A_288 = tpu.memref_squeeze %dma_wait3A_287 : memref<1x128x128xf32, #tpu.memory_space<vmem>> -> memref<128x128xf32, #tpu.memory_space<vmem>>
    tpu.wait_dma2 semaphore(%arg11 : memref<!tpu.dma_semaphore, #tpu.memory_space<semaphore_mem>>) src(%dma_wait3A_288 : memref<128x128xf32, #tpu.memory_space<vmem>>) dst(%dma_wait3A_284 : memref<128x128xf32, #tpu.memory_space<hbm>>)
    return
  }
}

module attributes {stable_mosaic.version = 14 : i64} {
  func.func @_tc_dot_body(%arg0: i32, %arg1: memref<8192x128xf32, #tpu.memory_space<vmem>>, %arg2: memref<64x8192xf32, #tpu.memory_space<vmem>>, %arg3: memref<64x8192xf32, #tpu.memory_space<vmem>>, %arg4: memref<8192xf32, #tpu.memory_space<vmem>>) attributes {dimension_semantics = [#tpu.dimension_semantics<arbitrary>], iteration_bounds = array<i64: 2>, scalar_prefetch = 0 : i64, scratch_operands = 0 : i64, tpu.core_type = #tpu.core_type<tc>, window_params = [{transform_indices = @transform_0, window_bounds = array<i64: 8192, 128>}, {transform_indices = @transform_1, window_bounds = array<i64: 64, 8192>}, {transform_indices = @transform_2, window_bounds = array<i64: 64, 8192>}, {transform_indices = @transform_3, window_bounds = array<i64: 8192>}]} {
    %iota3A = tpu.iota {dimensions = array<i32: 0>} : vector<128x128xi32>
    %iota3A_0 = tpu.iota {dimensions = array<i32: 1>} : vector<128x128xi32>
    %eq3A = arith.cmpi eq, %iota3A, %iota3A_0 : vector<128x128xi32>
    %convert_element_type3A = arith.extui %eq3A : vector<128x128xi1> to vector<128x128xi32>
    %convert_element_type3A_1 = arith.sitofp %convert_element_type3A : vector<128x128xi32> to vector<128x128xf32>
    %get3A = arith.constant 0 : index
    %get3A_2 = arith.constant 0 : index
    %get3A_3 = vector.load %arg1[%get3A, %get3A_2] : memref<8192x128xf32, #tpu.memory_space<vmem>>, vector<128x128xf32>
    %slice3A = vector.extract_strided_slice %get3A_3 {offsets = [0, 0], sizes = [128, 64], strides = [1, 1]} : vector<128x128xf32> to vector<128x64xf32>
    %get3A_4 = arith.constant 0 : index
    %get3A_5 = arith.constant 0 : index
    %get3A_6 = vector.load %arg2[%get3A_4, %get3A_5] : memref<64x8192xf32, #tpu.memory_space<vmem>>, vector<64x128xf32>
    %dot_general3A = arith.constant dense<0.000000e+00> : vector<128x128xf32>
    %dot_general3A_7 = tpu.matmul %slice3A, %get3A_6, %dot_general3A {dimension_numbers = #tpu.dot_dimension_numbers<[1], [0], [0], [1], [0, 0, 1, 1], [], []>, transpose_lhs_hint = false} : vector<128x64xf32>, vector<64x128xf32>, vector<128x128xf32> -> vector<128x128xf32>
    %slice3A_8 = vector.extract_strided_slice %get3A_3 {offsets = [0, 64], sizes = [128, 64], strides = [1, 1]} : vector<128x128xf32> to vector<128x64xf32>
    %get3A_9 = arith.constant 0 : index
    %get3A_10 = arith.constant 0 : index
    %get3A_11 = vector.load %arg3[%get3A_9, %get3A_10] : memref<64x8192xf32, #tpu.memory_space<vmem>>, vector<64x128xf32>
    %dot_general3A_12 = arith.constant dense<0.000000e+00> : vector<128x128xf32>
    %dot_general3A_13 = tpu.matmul %slice3A_8, %get3A_11, %dot_general3A_12 {dimension_numbers = #tpu.dot_dimension_numbers<[1], [0], [0], [1], [0, 0, 1, 1], [], []>, transpose_lhs_hint = false} : vector<128x64xf32>, vector<64x128xf32>, vector<128x128xf32> -> vector<128x128xf32>
    %add3A = arith.addf %dot_general3A_7, %dot_general3A_13 : vector<128x128xf32>
    %mul3A = arith.mulf %add3A, %convert_element_type3A_1 : vector<128x128xf32>
    %reduce_sum3A = arith.constant dense<0.000000e+00> : vector<128xf32>
    %reduce_sum3A_14 = vector.multi_reduction <add>, %mul3A, %reduce_sum3A [0] : vector<128x128xf32> to vector<128xf32>
    %get3A_15 = arith.constant 128 : index
    %get3A_16 = arith.constant 0 : index
    %get3A_17 = vector.load %arg1[%get3A_15, %get3A_16] : memref<8192x128xf32, #tpu.memory_space<vmem>>, vector<128x128xf32>
    %slice3A_18 = vector.extract_strided_slice %get3A_17 {offsets = [0, 0], sizes = [128, 64], strides = [1, 1]} : vector<128x128xf32> to vector<128x64xf32>
    %get3A_19 = arith.constant 0 : index
    %get3A_20 = arith.constant 128 : index
    %get3A_21 = vector.load %arg2[%get3A_19, %get3A_20] : memref<64x8192xf32, #tpu.memory_space<vmem>>, vector<64x128xf32>
    %dot_general3A_22 = arith.constant dense<0.000000e+00> : vector<128x128xf32>
    %dot_general3A_23 = tpu.matmul %slice3A_18, %get3A_21, %dot_general3A_22 {dimension_numbers = #tpu.dot_dimension_numbers<[1], [0], [0], [1], [0, 0, 1, 1], [], []>, transpose_lhs_hint = false} : vector<128x64xf32>, vector<64x128xf32>, vector<128x128xf32> -> vector<128x128xf32>
    %slice3A_24 = vector.extract_strided_slice %get3A_17 {offsets = [0, 64], sizes = [128, 64], strides = [1, 1]} : vector<128x128xf32> to vector<128x64xf32>
    %get3A_25 = arith.constant 0 : index
    %get3A_26 = arith.constant 128 : index
    %get3A_27 = vector.load %arg3[%get3A_25, %get3A_26] : memref<64x8192xf32, #tpu.memory_space<vmem>>, vector<64x128xf32>
    %dot_general3A_28 = arith.constant dense<0.000000e+00> : vector<128x128xf32>
    %dot_general3A_29 = tpu.matmul %slice3A_24, %get3A_27, %dot_general3A_28 {dimension_numbers = #tpu.dot_dimension_numbers<[1], [0], [0], [1], [0, 0, 1, 1], [], []>, transpose_lhs_hint = false} : vector<128x64xf32>, vector<64x128xf32>, vector<128x128xf32> -> vector<128x128xf32>
    %add3A_30 = arith.addf %dot_general3A_23, %dot_general3A_29 : vector<128x128xf32>
    %mul3A_31 = arith.mulf %add3A_30, %convert_element_type3A_1 : vector<128x128xf32>
    %reduce_sum3A_32 = arith.constant dense<0.000000e+00> : vector<128xf32>
    %reduce_sum3A_33 = vector.multi_reduction <add>, %mul3A_31, %reduce_sum3A_32 [0] : vector<128x128xf32> to vector<128xf32>
    %get3A_34 = arith.constant 256 : index
    %get3A_35 = arith.constant 0 : index
    %get3A_36 = vector.load %arg1[%get3A_34, %get3A_35] : memref<8192x128xf32, #tpu.memory_space<vmem>>, vector<128x128xf32>
    %slice3A_37 = vector.extract_strided_slice %get3A_36 {offsets = [0, 0], sizes = [128, 64], strides = [1, 1]} : vector<128x128xf32> to vector<128x64xf32>
    %get3A_38 = arith.constant 0 : index
    %get3A_39 = arith.constant 256 : index
    %get3A_40 = vector.load %arg2[%get3A_38, %get3A_39] : memref<64x8192xf32, #tpu.memory_space<vmem>>, vector<64x128xf32>
    %dot_general3A_41 = arith.constant dense<0.000000e+00> : vector<128x128xf32>
    %dot_general3A_42 = tpu.matmul %slice3A_37, %get3A_40, %dot_general3A_41 {dimension_numbers = #tpu.dot_dimension_numbers<[1], [0], [0], [1], [0, 0, 1, 1], [], []>, transpose_lhs_hint = false} : vector<128x64xf32>, vector<64x128xf32>, vector<128x128xf32> -> vector<128x128xf32>
    %slice3A_43 = vector.extract_strided_slice %get3A_36 {offsets = [0, 64], sizes = [128, 64], strides = [1, 1]} : vector<128x128xf32> to vector<128x64xf32>
    %get3A_44 = arith.constant 0 : index
    %get3A_45 = arith.constant 256 : index
    %get3A_46 = vector.load %arg3[%get3A_44, %get3A_45] : memref<64x8192xf32, #tpu.memory_space<vmem>>, vector<64x128xf32>
    %dot_general3A_47 = arith.constant dense<0.000000e+00> : vector<128x128xf32>
    %dot_general3A_48 = tpu.matmul %slice3A_43, %get3A_46, %dot_general3A_47 {dimension_numbers = #tpu.dot_dimension_numbers<[1], [0], [0], [1], [0, 0, 1, 1], [], []>, transpose_lhs_hint = false} : vector<128x64xf32>, vector<64x128xf32>, vector<128x128xf32> -> vector<128x128xf32>
    %add3A_49 = arith.addf %dot_general3A_42, %dot_general3A_48 : vector<128x128xf32>
    %mul3A_50 = arith.mulf %add3A_49, %convert_element_type3A_1 : vector<128x128xf32>
    %reduce_sum3A_51 = arith.constant dense<0.000000e+00> : vector<128xf32>
    %reduce_sum3A_52 = vector.multi_reduction <add>, %mul3A_50, %reduce_sum3A_51 [0] : vector<128x128xf32> to vector<128xf32>
    %get3A_53 = arith.constant 384 : index
    %get3A_54 = arith.constant 0 : index
    %get3A_55 = vector.load %arg1[%get3A_53, %get3A_54] : memref<8192x128xf32, #tpu.memory_space<vmem>>, vector<128x128xf32>
    %slice3A_56 = vector.extract_strided_slice %get3A_55 {offsets = [0, 0], sizes = [128, 64], strides = [1, 1]} : vector<128x128xf32> to vector<128x64xf32>
    %get3A_57 = arith.constant 0 : index
    %get3A_58 = arith.constant 384 : index
    %get3A_59 = vector.load %arg2[%get3A_57, %get3A_58] : memref<64x8192xf32, #tpu.memory_space<vmem>>, vector<64x128xf32>
    %dot_general3A_60 = arith.constant dense<0.000000e+00> : vector<128x128xf32>
    %dot_general3A_61 = tpu.matmul %slice3A_56, %get3A_59, %dot_general3A_60 {dimension_numbers = #tpu.dot_dimension_numbers<[1], [0], [0], [1], [0, 0, 1, 1], [], []>, transpose_lhs_hint = false} : vector<128x64xf32>, vector<64x128xf32>, vector<128x128xf32> -> vector<128x128xf32>
    %slice3A_62 = vector.extract_strided_slice %get3A_55 {offsets = [0, 64], sizes = [128, 64], strides = [1, 1]} : vector<128x128xf32> to vector<128x64xf32>
    %get3A_63 = arith.constant 0 : index
    %get3A_64 = arith.constant 384 : index
    %get3A_65 = vector.load %arg3[%get3A_63, %get3A_64] : memref<64x8192xf32, #tpu.memory_space<vmem>>, vector<64x128xf32>
    %dot_general3A_66 = arith.constant dense<0.000000e+00> : vector<128x128xf32>
    %dot_general3A_67 = tpu.matmul %slice3A_62, %get3A_65, %dot_general3A_66 {dimension_numbers = #tpu.dot_dimension_numbers<[1], [0], [0], [1], [0, 0, 1, 1], [], []>, transpose_lhs_hint = false} : vector<128x64xf32>, vector<64x128xf32>, vector<128x128xf32> -> vector<128x128xf32>
    %add3A_68 = arith.addf %dot_general3A_61, %dot_general3A_67 : vector<128x128xf32>
    %mul3A_69 = arith.mulf %add3A_68, %convert_element_type3A_1 : vector<128x128xf32>
    %reduce_sum3A_70 = arith.constant dense<0.000000e+00> : vector<128xf32>
    %reduce_sum3A_71 = vector.multi_reduction <add>, %mul3A_69, %reduce_sum3A_70 [0] : vector<128x128xf32> to vector<128xf32>
    %get3A_72 = arith.constant 512 : index
    %get3A_73 = arith.constant 0 : index
    %get3A_74 = vector.load %arg1[%get3A_72, %get3A_73] : memref<8192x128xf32, #tpu.memory_space<vmem>>, vector<128x128xf32>
    %slice3A_75 = vector.extract_strided_slice %get3A_74 {offsets = [0, 0], sizes = [128, 64], strides = [1, 1]} : vector<128x128xf32> to vector<128x64xf32>
    %get3A_76 = arith.constant 0 : index
    %get3A_77 = arith.constant 512 : index
    %get3A_78 = vector.load %arg2[%get3A_76, %get3A_77] : memref<64x8192xf32, #tpu.memory_space<vmem>>, vector<64x128xf32>
    %dot_general3A_79 = arith.constant dense<0.000000e+00> : vector<128x128xf32>
    %dot_general3A_80 = tpu.matmul %slice3A_75, %get3A_78, %dot_general3A_79 {dimension_numbers = #tpu.dot_dimension_numbers<[1], [0], [0], [1], [0, 0, 1, 1], [], []>, transpose_lhs_hint = false} : vector<128x64xf32>, vector<64x128xf32>, vector<128x128xf32> -> vector<128x128xf32>
    %slice3A_81 = vector.extract_strided_slice %get3A_74 {offsets = [0, 64], sizes = [128, 64], strides = [1, 1]} : vector<128x128xf32> to vector<128x64xf32>
    %get3A_82 = arith.constant 0 : index
    %get3A_83 = arith.constant 512 : index
    %get3A_84 = vector.load %arg3[%get3A_82, %get3A_83] : memref<64x8192xf32, #tpu.memory_space<vmem>>, vector<64x128xf32>
    %dot_general3A_85 = arith.constant dense<0.000000e+00> : vector<128x128xf32>
    %dot_general3A_86 = tpu.matmul %slice3A_81, %get3A_84, %dot_general3A_85 {dimension_numbers = #tpu.dot_dimension_numbers<[1], [0], [0], [1], [0, 0, 1, 1], [], []>, transpose_lhs_hint = false} : vector<128x64xf32>, vector<64x128xf32>, vector<128x128xf32> -> vector<128x128xf32>
    %add3A_87 = arith.addf %dot_general3A_80, %dot_general3A_86 : vector<128x128xf32>
    %mul3A_88 = arith.mulf %add3A_87, %convert_element_type3A_1 : vector<128x128xf32>
    %reduce_sum3A_89 = arith.constant dense<0.000000e+00> : vector<128xf32>
    %reduce_sum3A_90 = vector.multi_reduction <add>, %mul3A_88, %reduce_sum3A_89 [0] : vector<128x128xf32> to vector<128xf32>
    %get3A_91 = arith.constant 640 : index
    %get3A_92 = arith.constant 0 : index
    %get3A_93 = vector.load %arg1[%get3A_91, %get3A_92] : memref<8192x128xf32, #tpu.memory_space<vmem>>, vector<128x128xf32>
    %slice3A_94 = vector.extract_strided_slice %get3A_93 {offsets = [0, 0], sizes = [128, 64], strides = [1, 1]} : vector<128x128xf32> to vector<128x64xf32>
    %get3A_95 = arith.constant 0 : index
    %get3A_96 = arith.constant 640 : index
    %get3A_97 = vector.load %arg2[%get3A_95, %get3A_96] : memref<64x8192xf32, #tpu.memory_space<vmem>>, vector<64x128xf32>
    %dot_general3A_98 = arith.constant dense<0.000000e+00> : vector<128x128xf32>
    %dot_general3A_99 = tpu.matmul %slice3A_94, %get3A_97, %dot_general3A_98 {dimension_numbers = #tpu.dot_dimension_numbers<[1], [0], [0], [1], [0, 0, 1, 1], [], []>, transpose_lhs_hint = false} : vector<128x64xf32>, vector<64x128xf32>, vector<128x128xf32> -> vector<128x128xf32>
    %slice3A_100 = vector.extract_strided_slice %get3A_93 {offsets = [0, 64], sizes = [128, 64], strides = [1, 1]} : vector<128x128xf32> to vector<128x64xf32>
    %get3A_101 = arith.constant 0 : index
    %get3A_102 = arith.constant 640 : index
    %get3A_103 = vector.load %arg3[%get3A_101, %get3A_102] : memref<64x8192xf32, #tpu.memory_space<vmem>>, vector<64x128xf32>
    %dot_general3A_104 = arith.constant dense<0.000000e+00> : vector<128x128xf32>
    %dot_general3A_105 = tpu.matmul %slice3A_100, %get3A_103, %dot_general3A_104 {dimension_numbers = #tpu.dot_dimension_numbers<[1], [0], [0], [1], [0, 0, 1, 1], [], []>, transpose_lhs_hint = false} : vector<128x64xf32>, vector<64x128xf32>, vector<128x128xf32> -> vector<128x128xf32>
    %add3A_106 = arith.addf %dot_general3A_99, %dot_general3A_105 : vector<128x128xf32>
    %mul3A_107 = arith.mulf %add3A_106, %convert_element_type3A_1 : vector<128x128xf32>
    %reduce_sum3A_108 = arith.constant dense<0.000000e+00> : vector<128xf32>
    %reduce_sum3A_109 = vector.multi_reduction <add>, %mul3A_107, %reduce_sum3A_108 [0] : vector<128x128xf32> to vector<128xf32>
    %get3A_110 = arith.constant 768 : index
    %get3A_111 = arith.constant 0 : index
    %get3A_112 = vector.load %arg1[%get3A_110, %get3A_111] : memref<8192x128xf32, #tpu.memory_space<vmem>>, vector<128x128xf32>
    %slice3A_113 = vector.extract_strided_slice %get3A_112 {offsets = [0, 0], sizes = [128, 64], strides = [1, 1]} : vector<128x128xf32> to vector<128x64xf32>
    %get3A_114 = arith.constant 0 : index
    %get3A_115 = arith.constant 768 : index
    %get3A_116 = vector.load %arg2[%get3A_114, %get3A_115] : memref<64x8192xf32, #tpu.memory_space<vmem>>, vector<64x128xf32>
    %dot_general3A_117 = arith.constant dense<0.000000e+00> : vector<128x128xf32>
    %dot_general3A_118 = tpu.matmul %slice3A_113, %get3A_116, %dot_general3A_117 {dimension_numbers = #tpu.dot_dimension_numbers<[1], [0], [0], [1], [0, 0, 1, 1], [], []>, transpose_lhs_hint = false} : vector<128x64xf32>, vector<64x128xf32>, vector<128x128xf32> -> vector<128x128xf32>
    %slice3A_119 = vector.extract_strided_slice %get3A_112 {offsets = [0, 64], sizes = [128, 64], strides = [1, 1]} : vector<128x128xf32> to vector<128x64xf32>
    %get3A_120 = arith.constant 0 : index
    %get3A_121 = arith.constant 768 : index
    %get3A_122 = vector.load %arg3[%get3A_120, %get3A_121] : memref<64x8192xf32, #tpu.memory_space<vmem>>, vector<64x128xf32>
    %dot_general3A_123 = arith.constant dense<0.000000e+00> : vector<128x128xf32>
    %dot_general3A_124 = tpu.matmul %slice3A_119, %get3A_122, %dot_general3A_123 {dimension_numbers = #tpu.dot_dimension_numbers<[1], [0], [0], [1], [0, 0, 1, 1], [], []>, transpose_lhs_hint = false} : vector<128x64xf32>, vector<64x128xf32>, vector<128x128xf32> -> vector<128x128xf32>
    %add3A_125 = arith.addf %dot_general3A_118, %dot_general3A_124 : vector<128x128xf32>
    %mul3A_126 = arith.mulf %add3A_125, %convert_element_type3A_1 : vector<128x128xf32>
    %reduce_sum3A_127 = arith.constant dense<0.000000e+00> : vector<128xf32>
    %reduce_sum3A_128 = vector.multi_reduction <add>, %mul3A_126, %reduce_sum3A_127 [0] : vector<128x128xf32> to vector<128xf32>
    %get3A_129 = arith.constant 896 : index
    %get3A_130 = arith.constant 0 : index
    %get3A_131 = vector.load %arg1[%get3A_129, %get3A_130] : memref<8192x128xf32, #tpu.memory_space<vmem>>, vector<128x128xf32>
    %slice3A_132 = vector.extract_strided_slice %get3A_131 {offsets = [0, 0], sizes = [128, 64], strides = [1, 1]} : vector<128x128xf32> to vector<128x64xf32>
    %get3A_133 = arith.constant 0 : index
    %get3A_134 = arith.constant 896 : index
    %get3A_135 = vector.load %arg2[%get3A_133, %get3A_134] : memref<64x8192xf32, #tpu.memory_space<vmem>>, vector<64x128xf32>
    %dot_general3A_136 = arith.constant dense<0.000000e+00> : vector<128x128xf32>
    %dot_general3A_137 = tpu.matmul %slice3A_132, %get3A_135, %dot_general3A_136 {dimension_numbers = #tpu.dot_dimension_numbers<[1], [0], [0], [1], [0, 0, 1, 1], [], []>, transpose_lhs_hint = false} : vector<128x64xf32>, vector<64x128xf32>, vector<128x128xf32> -> vector<128x128xf32>
    %slice3A_138 = vector.extract_strided_slice %get3A_131 {offsets = [0, 64], sizes = [128, 64], strides = [1, 1]} : vector<128x128xf32> to vector<128x64xf32>
    %get3A_139 = arith.constant 0 : index
    %get3A_140 = arith.constant 896 : index
    %get3A_141 = vector.load %arg3[%get3A_139, %get3A_140] : memref<64x8192xf32, #tpu.memory_space<vmem>>, vector<64x128xf32>
    %dot_general3A_142 = arith.constant dense<0.000000e+00> : vector<128x128xf32>
    %dot_general3A_143 = tpu.matmul %slice3A_138, %get3A_141, %dot_general3A_142 {dimension_numbers = #tpu.dot_dimension_numbers<[1], [0], [0], [1], [0, 0, 1, 1], [], []>, transpose_lhs_hint = false} : vector<128x64xf32>, vector<64x128xf32>, vector<128x128xf32> -> vector<128x128xf32>
    %add3A_144 = arith.addf %dot_general3A_137, %dot_general3A_143 : vector<128x128xf32>
    %mul3A_145 = arith.mulf %add3A_144, %convert_element_type3A_1 : vector<128x128xf32>
    %reduce_sum3A_146 = arith.constant dense<0.000000e+00> : vector<128xf32>
    %reduce_sum3A_147 = vector.multi_reduction <add>, %mul3A_145, %reduce_sum3A_146 [0] : vector<128x128xf32> to vector<128xf32>
    %get3A_148 = arith.constant 1024 : index
    %get3A_149 = arith.constant 0 : index
    %get3A_150 = vector.load %arg1[%get3A_148, %get3A_149] : memref<8192x128xf32, #tpu.memory_space<vmem>>, vector<128x128xf32>
    %slice3A_151 = vector.extract_strided_slice %get3A_150 {offsets = [0, 0], sizes = [128, 64], strides = [1, 1]} : vector<128x128xf32> to vector<128x64xf32>
    %get3A_152 = arith.constant 0 : index
    %get3A_153 = arith.constant 1024 : index
    %get3A_154 = vector.load %arg2[%get3A_152, %get3A_153] : memref<64x8192xf32, #tpu.memory_space<vmem>>, vector<64x128xf32>
    %dot_general3A_155 = arith.constant dense<0.000000e+00> : vector<128x128xf32>
    %dot_general3A_156 = tpu.matmul %slice3A_151, %get3A_154, %dot_general3A_155 {dimension_numbers = #tpu.dot_dimension_numbers<[1], [0], [0], [1], [0, 0, 1, 1], [], []>, transpose_lhs_hint = false} : vector<128x64xf32>, vector<64x128xf32>, vector<128x128xf32> -> vector<128x128xf32>
    %slice3A_157 = vector.extract_strided_slice %get3A_150 {offsets = [0, 64], sizes = [128, 64], strides = [1, 1]} : vector<128x128xf32> to vector<128x64xf32>
    %get3A_158 = arith.constant 0 : index
    %get3A_159 = arith.constant 1024 : index
    %get3A_160 = vector.load %arg3[%get3A_158, %get3A_159] : memref<64x8192xf32, #tpu.memory_space<vmem>>, vector<64x128xf32>
    %dot_general3A_161 = arith.constant dense<0.000000e+00> : vector<128x128xf32>
    %dot_general3A_162 = tpu.matmul %slice3A_157, %get3A_160, %dot_general3A_161 {dimension_numbers = #tpu.dot_dimension_numbers<[1], [0], [0], [1], [0, 0, 1, 1], [], []>, transpose_lhs_hint = false} : vector<128x64xf32>, vector<64x128xf32>, vector<128x128xf32> -> vector<128x128xf32>
    %add3A_163 = arith.addf %dot_general3A_156, %dot_general3A_162 : vector<128x128xf32>
    %mul3A_164 = arith.mulf %add3A_163, %convert_element_type3A_1 : vector<128x128xf32>
    %reduce_sum3A_165 = arith.constant dense<0.000000e+00> : vector<128xf32>
    %reduce_sum3A_166 = vector.multi_reduction <add>, %mul3A_164, %reduce_sum3A_165 [0] : vector<128x128xf32> to vector<128xf32>
    %get3A_167 = arith.constant 1152 : index
    %get3A_168 = arith.constant 0 : index
    %get3A_169 = vector.load %arg1[%get3A_167, %get3A_168] : memref<8192x128xf32, #tpu.memory_space<vmem>>, vector<128x128xf32>
    %slice3A_170 = vector.extract_strided_slice %get3A_169 {offsets = [0, 0], sizes = [128, 64], strides = [1, 1]} : vector<128x128xf32> to vector<128x64xf32>
    %get3A_171 = arith.constant 0 : index
    %get3A_172 = arith.constant 1152 : index
    %get3A_173 = vector.load %arg2[%get3A_171, %get3A_172] : memref<64x8192xf32, #tpu.memory_space<vmem>>, vector<64x128xf32>
    %dot_general3A_174 = arith.constant dense<0.000000e+00> : vector<128x128xf32>
    %dot_general3A_175 = tpu.matmul %slice3A_170, %get3A_173, %dot_general3A_174 {dimension_numbers = #tpu.dot_dimension_numbers<[1], [0], [0], [1], [0, 0, 1, 1], [], []>, transpose_lhs_hint = false} : vector<128x64xf32>, vector<64x128xf32>, vector<128x128xf32> -> vector<128x128xf32>
    %slice3A_176 = vector.extract_strided_slice %get3A_169 {offsets = [0, 64], sizes = [128, 64], strides = [1, 1]} : vector<128x128xf32> to vector<128x64xf32>
    %get3A_177 = arith.constant 0 : index
    %get3A_178 = arith.constant 1152 : index
    %get3A_179 = vector.load %arg3[%get3A_177, %get3A_178] : memref<64x8192xf32, #tpu.memory_space<vmem>>, vector<64x128xf32>
    %dot_general3A_180 = arith.constant dense<0.000000e+00> : vector<128x128xf32>
    %dot_general3A_181 = tpu.matmul %slice3A_176, %get3A_179, %dot_general3A_180 {dimension_numbers = #tpu.dot_dimension_numbers<[1], [0], [0], [1], [0, 0, 1, 1], [], []>, transpose_lhs_hint = false} : vector<128x64xf32>, vector<64x128xf32>, vector<128x128xf32> -> vector<128x128xf32>
    %add3A_182 = arith.addf %dot_general3A_175, %dot_general3A_181 : vector<128x128xf32>
    %mul3A_183 = arith.mulf %add3A_182, %convert_element_type3A_1 : vector<128x128xf32>
    %reduce_sum3A_184 = arith.constant dense<0.000000e+00> : vector<128xf32>
    %reduce_sum3A_185 = vector.multi_reduction <add>, %mul3A_183, %reduce_sum3A_184 [0] : vector<128x128xf32> to vector<128xf32>
    %get3A_186 = arith.constant 1280 : index
    %get3A_187 = arith.constant 0 : index
    %get3A_188 = vector.load %arg1[%get3A_186, %get3A_187] : memref<8192x128xf32, #tpu.memory_space<vmem>>, vector<128x128xf32>
    %slice3A_189 = vector.extract_strided_slice %get3A_188 {offsets = [0, 0], sizes = [128, 64], strides = [1, 1]} : vector<128x128xf32> to vector<128x64xf32>
    %get3A_190 = arith.constant 0 : index
    %get3A_191 = arith.constant 1280 : index
    %get3A_192 = vector.load %arg2[%get3A_190, %get3A_191] : memref<64x8192xf32, #tpu.memory_space<vmem>>, vector<64x128xf32>
    %dot_general3A_193 = arith.constant dense<0.000000e+00> : vector<128x128xf32>
    %dot_general3A_194 = tpu.matmul %slice3A_189, %get3A_192, %dot_general3A_193 {dimension_numbers = #tpu.dot_dimension_numbers<[1], [0], [0], [1], [0, 0, 1, 1], [], []>, transpose_lhs_hint = false} : vector<128x64xf32>, vector<64x128xf32>, vector<128x128xf32> -> vector<128x128xf32>
    %slice3A_195 = vector.extract_strided_slice %get3A_188 {offsets = [0, 64], sizes = [128, 64], strides = [1, 1]} : vector<128x128xf32> to vector<128x64xf32>
    %get3A_196 = arith.constant 0 : index
    %get3A_197 = arith.constant 1280 : index
    %get3A_198 = vector.load %arg3[%get3A_196, %get3A_197] : memref<64x8192xf32, #tpu.memory_space<vmem>>, vector<64x128xf32>
    %dot_general3A_199 = arith.constant dense<0.000000e+00> : vector<128x128xf32>
    %dot_general3A_200 = tpu.matmul %slice3A_195, %get3A_198, %dot_general3A_199 {dimension_numbers = #tpu.dot_dimension_numbers<[1], [0], [0], [1], [0, 0, 1, 1], [], []>, transpose_lhs_hint = false} : vector<128x64xf32>, vector<64x128xf32>, vector<128x128xf32> -> vector<128x128xf32>
    %add3A_201 = arith.addf %dot_general3A_194, %dot_general3A_200 : vector<128x128xf32>
    %mul3A_202 = arith.mulf %add3A_201, %convert_element_type3A_1 : vector<128x128xf32>
    %reduce_sum3A_203 = arith.constant dense<0.000000e+00> : vector<128xf32>
    %reduce_sum3A_204 = vector.multi_reduction <add>, %mul3A_202, %reduce_sum3A_203 [0] : vector<128x128xf32> to vector<128xf32>
    %get3A_205 = arith.constant 1408 : index
    %get3A_206 = arith.constant 0 : index
    %get3A_207 = vector.load %arg1[%get3A_205, %get3A_206] : memref<8192x128xf32, #tpu.memory_space<vmem>>, vector<128x128xf32>
    %slice3A_208 = vector.extract_strided_slice %get3A_207 {offsets = [0, 0], sizes = [128, 64], strides = [1, 1]} : vector<128x128xf32> to vector<128x64xf32>
    %get3A_209 = arith.constant 0 : index
    %get3A_210 = arith.constant 1408 : index
    %get3A_211 = vector.load %arg2[%get3A_209, %get3A_210] : memref<64x8192xf32, #tpu.memory_space<vmem>>, vector<64x128xf32>
    %dot_general3A_212 = arith.constant dense<0.000000e+00> : vector<128x128xf32>
    %dot_general3A_213 = tpu.matmul %slice3A_208, %get3A_211, %dot_general3A_212 {dimension_numbers = #tpu.dot_dimension_numbers<[1], [0], [0], [1], [0, 0, 1, 1], [], []>, transpose_lhs_hint = false} : vector<128x64xf32>, vector<64x128xf32>, vector<128x128xf32> -> vector<128x128xf32>
    %slice3A_214 = vector.extract_strided_slice %get3A_207 {offsets = [0, 64], sizes = [128, 64], strides = [1, 1]} : vector<128x128xf32> to vector<128x64xf32>
    %get3A_215 = arith.constant 0 : index
    %get3A_216 = arith.constant 1408 : index
    %get3A_217 = vector.load %arg3[%get3A_215, %get3A_216] : memref<64x8192xf32, #tpu.memory_space<vmem>>, vector<64x128xf32>
    %dot_general3A_218 = arith.constant dense<0.000000e+00> : vector<128x128xf32>
    %dot_general3A_219 = tpu.matmul %slice3A_214, %get3A_217, %dot_general3A_218 {dimension_numbers = #tpu.dot_dimension_numbers<[1], [0], [0], [1], [0, 0, 1, 1], [], []>, transpose_lhs_hint = false} : vector<128x64xf32>, vector<64x128xf32>, vector<128x128xf32> -> vector<128x128xf32>
    %add3A_220 = arith.addf %dot_general3A_213, %dot_general3A_219 : vector<128x128xf32>
    %mul3A_221 = arith.mulf %add3A_220, %convert_element_type3A_1 : vector<128x128xf32>
    %reduce_sum3A_222 = arith.constant dense<0.000000e+00> : vector<128xf32>
    %reduce_sum3A_223 = vector.multi_reduction <add>, %mul3A_221, %reduce_sum3A_222 [0] : vector<128x128xf32> to vector<128xf32>
    %get3A_224 = arith.constant 1536 : index
    %get3A_225 = arith.constant 0 : index
    %get3A_226 = vector.load %arg1[%get3A_224, %get3A_225] : memref<8192x128xf32, #tpu.memory_space<vmem>>, vector<128x128xf32>
    %slice3A_227 = vector.extract_strided_slice %get3A_226 {offsets = [0, 0], sizes = [128, 64], strides = [1, 1]} : vector<128x128xf32> to vector<128x64xf32>
    %get3A_228 = arith.constant 0 : index
    %get3A_229 = arith.constant 1536 : index
    %get3A_230 = vector.load %arg2[%get3A_228, %get3A_229] : memref<64x8192xf32, #tpu.memory_space<vmem>>, vector<64x128xf32>
    %dot_general3A_231 = arith.constant dense<0.000000e+00> : vector<128x128xf32>
    %dot_general3A_232 = tpu.matmul %slice3A_227, %get3A_230, %dot_general3A_231 {dimension_numbers = #tpu.dot_dimension_numbers<[1], [0], [0], [1], [0, 0, 1, 1], [], []>, transpose_lhs_hint = false} : vector<128x64xf32>, vector<64x128xf32>, vector<128x128xf32> -> vector<128x128xf32>
    %slice3A_233 = vector.extract_strided_slice %get3A_226 {offsets = [0, 64], sizes = [128, 64], strides = [1, 1]} : vector<128x128xf32> to vector<128x64xf32>
    %get3A_234 = arith.constant 0 : index
    %get3A_235 = arith.constant 1536 : index
    %get3A_236 = vector.load %arg3[%get3A_234, %get3A_235] : memref<64x8192xf32, #tpu.memory_space<vmem>>, vector<64x128xf32>
    %dot_general3A_237 = arith.constant dense<0.000000e+00> : vector<128x128xf32>
    %dot_general3A_238 = tpu.matmul %slice3A_233, %get3A_236, %dot_general3A_237 {dimension_numbers = #tpu.dot_dimension_numbers<[1], [0], [0], [1], [0, 0, 1, 1], [], []>, transpose_lhs_hint = false} : vector<128x64xf32>, vector<64x128xf32>, vector<128x128xf32> -> vector<128x128xf32>
    %add3A_239 = arith.addf %dot_general3A_232, %dot_general3A_238 : vector<128x128xf32>
    %mul3A_240 = arith.mulf %add3A_239, %convert_element_type3A_1 : vector<128x128xf32>
    %reduce_sum3A_241 = arith.constant dense<0.000000e+00> : vector<128xf32>
    %reduce_sum3A_242 = vector.multi_reduction <add>, %mul3A_240, %reduce_sum3A_241 [0] : vector<128x128xf32> to vector<128xf32>
    %get3A_243 = arith.constant 1664 : index
    %get3A_244 = arith.constant 0 : index
    %get3A_245 = vector.load %arg1[%get3A_243, %get3A_244] : memref<8192x128xf32, #tpu.memory_space<vmem>>, vector<128x128xf32>
    %slice3A_246 = vector.extract_strided_slice %get3A_245 {offsets = [0, 0], sizes = [128, 64], strides = [1, 1]} : vector<128x128xf32> to vector<128x64xf32>
    %get3A_247 = arith.constant 0 : index
    %get3A_248 = arith.constant 1664 : index
    %get3A_249 = vector.load %arg2[%get3A_247, %get3A_248] : memref<64x8192xf32, #tpu.memory_space<vmem>>, vector<64x128xf32>
    %dot_general3A_250 = arith.constant dense<0.000000e+00> : vector<128x128xf32>
    %dot_general3A_251 = tpu.matmul %slice3A_246, %get3A_249, %dot_general3A_250 {dimension_numbers = #tpu.dot_dimension_numbers<[1], [0], [0], [1], [0, 0, 1, 1], [], []>, transpose_lhs_hint = false} : vector<128x64xf32>, vector<64x128xf32>, vector<128x128xf32> -> vector<128x128xf32>
    %slice3A_252 = vector.extract_strided_slice %get3A_245 {offsets = [0, 64], sizes = [128, 64], strides = [1, 1]} : vector<128x128xf32> to vector<128x64xf32>
    %get3A_253 = arith.constant 0 : index
    %get3A_254 = arith.constant 1664 : index
    %get3A_255 = vector.load %arg3[%get3A_253, %get3A_254] : memref<64x8192xf32, #tpu.memory_space<vmem>>, vector<64x128xf32>
    %dot_general3A_256 = arith.constant dense<0.000000e+00> : vector<128x128xf32>
    %dot_general3A_257 = tpu.matmul %slice3A_252, %get3A_255, %dot_general3A_256 {dimension_numbers = #tpu.dot_dimension_numbers<[1], [0], [0], [1], [0, 0, 1, 1], [], []>, transpose_lhs_hint = false} : vector<128x64xf32>, vector<64x128xf32>, vector<128x128xf32> -> vector<128x128xf32>
    %add3A_258 = arith.addf %dot_general3A_251, %dot_general3A_257 : vector<128x128xf32>
    %mul3A_259 = arith.mulf %add3A_258, %convert_element_type3A_1 : vector<128x128xf32>
    %reduce_sum3A_260 = arith.constant dense<0.000000e+00> : vector<128xf32>
    %reduce_sum3A_261 = vector.multi_reduction <add>, %mul3A_259, %reduce_sum3A_260 [0] : vector<128x128xf32> to vector<128xf32>
    %get3A_262 = arith.constant 1792 : index
    %get3A_263 = arith.constant 0 : index
    %get3A_264 = vector.load %arg1[%get3A_262, %get3A_263] : memref<8192x128xf32, #tpu.memory_space<vmem>>, vector<128x128xf32>
    %slice3A_265 = vector.extract_strided_slice %get3A_264 {offsets = [0, 0], sizes = [128, 64], strides = [1, 1]} : vector<128x128xf32> to vector<128x64xf32>
    %get3A_266 = arith.constant 0 : index
    %get3A_267 = arith.constant 1792 : index
    %get3A_268 = vector.load %arg2[%get3A_266, %get3A_267] : memref<64x8192xf32, #tpu.memory_space<vmem>>, vector<64x128xf32>
    %dot_general3A_269 = arith.constant dense<0.000000e+00> : vector<128x128xf32>
    %dot_general3A_270 = tpu.matmul %slice3A_265, %get3A_268, %dot_general3A_269 {dimension_numbers = #tpu.dot_dimension_numbers<[1], [0], [0], [1], [0, 0, 1, 1], [], []>, transpose_lhs_hint = false} : vector<128x64xf32>, vector<64x128xf32>, vector<128x128xf32> -> vector<128x128xf32>
    %slice3A_271 = vector.extract_strided_slice %get3A_264 {offsets = [0, 64], sizes = [128, 64], strides = [1, 1]} : vector<128x128xf32> to vector<128x64xf32>
    %get3A_272 = arith.constant 0 : index
    %get3A_273 = arith.constant 1792 : index
    %get3A_274 = vector.load %arg3[%get3A_272, %get3A_273] : memref<64x8192xf32, #tpu.memory_space<vmem>>, vector<64x128xf32>
    %dot_general3A_275 = arith.constant dense<0.000000e+00> : vector<128x128xf32>
    %dot_general3A_276 = tpu.matmul %slice3A_271, %get3A_274, %dot_general3A_275 {dimension_numbers = #tpu.dot_dimension_numbers<[1], [0], [0], [1], [0, 0, 1, 1], [], []>, transpose_lhs_hint = false} : vector<128x64xf32>, vector<64x128xf32>, vector<128x128xf32> -> vector<128x128xf32>
    %add3A_277 = arith.addf %dot_general3A_270, %dot_general3A_276 : vector<128x128xf32>
    %mul3A_278 = arith.mulf %add3A_277, %convert_element_type3A_1 : vector<128x128xf32>
    %reduce_sum3A_279 = arith.constant dense<0.000000e+00> : vector<128xf32>
    %reduce_sum3A_280 = vector.multi_reduction <add>, %mul3A_278, %reduce_sum3A_279 [0] : vector<128x128xf32> to vector<128xf32>
    %get3A_281 = arith.constant 1920 : index
    %get3A_282 = arith.constant 0 : index
    %get3A_283 = vector.load %arg1[%get3A_281, %get3A_282] : memref<8192x128xf32, #tpu.memory_space<vmem>>, vector<128x128xf32>
    %slice3A_284 = vector.extract_strided_slice %get3A_283 {offsets = [0, 0], sizes = [128, 64], strides = [1, 1]} : vector<128x128xf32> to vector<128x64xf32>
    %get3A_285 = arith.constant 0 : index
    %get3A_286 = arith.constant 1920 : index
    %get3A_287 = vector.load %arg2[%get3A_285, %get3A_286] : memref<64x8192xf32, #tpu.memory_space<vmem>>, vector<64x128xf32>
    %dot_general3A_288 = arith.constant dense<0.000000e+00> : vector<128x128xf32>
    %dot_general3A_289 = tpu.matmul %slice3A_284, %get3A_287, %dot_general3A_288 {dimension_numbers = #tpu.dot_dimension_numbers<[1], [0], [0], [1], [0, 0, 1, 1], [], []>, transpose_lhs_hint = false} : vector<128x64xf32>, vector<64x128xf32>, vector<128x128xf32> -> vector<128x128xf32>
    %slice3A_290 = vector.extract_strided_slice %get3A_283 {offsets = [0, 64], sizes = [128, 64], strides = [1, 1]} : vector<128x128xf32> to vector<128x64xf32>
    %get3A_291 = arith.constant 0 : index
    %get3A_292 = arith.constant 1920 : index
    %get3A_293 = vector.load %arg3[%get3A_291, %get3A_292] : memref<64x8192xf32, #tpu.memory_space<vmem>>, vector<64x128xf32>
    %dot_general3A_294 = arith.constant dense<0.000000e+00> : vector<128x128xf32>
    %dot_general3A_295 = tpu.matmul %slice3A_290, %get3A_293, %dot_general3A_294 {dimension_numbers = #tpu.dot_dimension_numbers<[1], [0], [0], [1], [0, 0, 1, 1], [], []>, transpose_lhs_hint = false} : vector<128x64xf32>, vector<64x128xf32>, vector<128x128xf32> -> vector<128x128xf32>
    %add3A_296 = arith.addf %dot_general3A_289, %dot_general3A_295 : vector<128x128xf32>
    %mul3A_297 = arith.mulf %add3A_296, %convert_element_type3A_1 : vector<128x128xf32>
    %reduce_sum3A_298 = arith.constant dense<0.000000e+00> : vector<128xf32>
    %reduce_sum3A_299 = vector.multi_reduction <add>, %mul3A_297, %reduce_sum3A_298 [0] : vector<128x128xf32> to vector<128xf32>
    %get3A_300 = arith.constant 2048 : index
    %get3A_301 = arith.constant 0 : index
    %get3A_302 = vector.load %arg1[%get3A_300, %get3A_301] : memref<8192x128xf32, #tpu.memory_space<vmem>>, vector<128x128xf32>
    %slice3A_303 = vector.extract_strided_slice %get3A_302 {offsets = [0, 0], sizes = [128, 64], strides = [1, 1]} : vector<128x128xf32> to vector<128x64xf32>
    %get3A_304 = arith.constant 0 : index
    %get3A_305 = arith.constant 2048 : index
    %get3A_306 = vector.load %arg2[%get3A_304, %get3A_305] : memref<64x8192xf32, #tpu.memory_space<vmem>>, vector<64x128xf32>
    %dot_general3A_307 = arith.constant dense<0.000000e+00> : vector<128x128xf32>
    %dot_general3A_308 = tpu.matmul %slice3A_303, %get3A_306, %dot_general3A_307 {dimension_numbers = #tpu.dot_dimension_numbers<[1], [0], [0], [1], [0, 0, 1, 1], [], []>, transpose_lhs_hint = false} : vector<128x64xf32>, vector<64x128xf32>, vector<128x128xf32> -> vector<128x128xf32>
    %slice3A_309 = vector.extract_strided_slice %get3A_302 {offsets = [0, 64], sizes = [128, 64], strides = [1, 1]} : vector<128x128xf32> to vector<128x64xf32>
    %get3A_310 = arith.constant 0 : index
    %get3A_311 = arith.constant 2048 : index
    %get3A_312 = vector.load %arg3[%get3A_310, %get3A_311] : memref<64x8192xf32, #tpu.memory_space<vmem>>, vector<64x128xf32>
    %dot_general3A_313 = arith.constant dense<0.000000e+00> : vector<128x128xf32>
    %dot_general3A_314 = tpu.matmul %slice3A_309, %get3A_312, %dot_general3A_313 {dimension_numbers = #tpu.dot_dimension_numbers<[1], [0], [0], [1], [0, 0, 1, 1], [], []>, transpose_lhs_hint = false} : vector<128x64xf32>, vector<64x128xf32>, vector<128x128xf32> -> vector<128x128xf32>
    %add3A_315 = arith.addf %dot_general3A_308, %dot_general3A_314 : vector<128x128xf32>
    %mul3A_316 = arith.mulf %add3A_315, %convert_element_type3A_1 : vector<128x128xf32>
    %reduce_sum3A_317 = arith.constant dense<0.000000e+00> : vector<128xf32>
    %reduce_sum3A_318 = vector.multi_reduction <add>, %mul3A_316, %reduce_sum3A_317 [0] : vector<128x128xf32> to vector<128xf32>
    %get3A_319 = arith.constant 2176 : index
    %get3A_320 = arith.constant 0 : index
    %get3A_321 = vector.load %arg1[%get3A_319, %get3A_320] : memref<8192x128xf32, #tpu.memory_space<vmem>>, vector<128x128xf32>
    %slice3A_322 = vector.extract_strided_slice %get3A_321 {offsets = [0, 0], sizes = [128, 64], strides = [1, 1]} : vector<128x128xf32> to vector<128x64xf32>
    %get3A_323 = arith.constant 0 : index
    %get3A_324 = arith.constant 2176 : index
    %get3A_325 = vector.load %arg2[%get3A_323, %get3A_324] : memref<64x8192xf32, #tpu.memory_space<vmem>>, vector<64x128xf32>
    %dot_general3A_326 = arith.constant dense<0.000000e+00> : vector<128x128xf32>
    %dot_general3A_327 = tpu.matmul %slice3A_322, %get3A_325, %dot_general3A_326 {dimension_numbers = #tpu.dot_dimension_numbers<[1], [0], [0], [1], [0, 0, 1, 1], [], []>, transpose_lhs_hint = false} : vector<128x64xf32>, vector<64x128xf32>, vector<128x128xf32> -> vector<128x128xf32>
    %slice3A_328 = vector.extract_strided_slice %get3A_321 {offsets = [0, 64], sizes = [128, 64], strides = [1, 1]} : vector<128x128xf32> to vector<128x64xf32>
    %get3A_329 = arith.constant 0 : index
    %get3A_330 = arith.constant 2176 : index
    %get3A_331 = vector.load %arg3[%get3A_329, %get3A_330] : memref<64x8192xf32, #tpu.memory_space<vmem>>, vector<64x128xf32>
    %dot_general3A_332 = arith.constant dense<0.000000e+00> : vector<128x128xf32>
    %dot_general3A_333 = tpu.matmul %slice3A_328, %get3A_331, %dot_general3A_332 {dimension_numbers = #tpu.dot_dimension_numbers<[1], [0], [0], [1], [0, 0, 1, 1], [], []>, transpose_lhs_hint = false} : vector<128x64xf32>, vector<64x128xf32>, vector<128x128xf32> -> vector<128x128xf32>
    %add3A_334 = arith.addf %dot_general3A_327, %dot_general3A_333 : vector<128x128xf32>
    %mul3A_335 = arith.mulf %add3A_334, %convert_element_type3A_1 : vector<128x128xf32>
    %reduce_sum3A_336 = arith.constant dense<0.000000e+00> : vector<128xf32>
    %reduce_sum3A_337 = vector.multi_reduction <add>, %mul3A_335, %reduce_sum3A_336 [0] : vector<128x128xf32> to vector<128xf32>
    %get3A_338 = arith.constant 2304 : index
    %get3A_339 = arith.constant 0 : index
    %get3A_340 = vector.load %arg1[%get3A_338, %get3A_339] : memref<8192x128xf32, #tpu.memory_space<vmem>>, vector<128x128xf32>
    %slice3A_341 = vector.extract_strided_slice %get3A_340 {offsets = [0, 0], sizes = [128, 64], strides = [1, 1]} : vector<128x128xf32> to vector<128x64xf32>
    %get3A_342 = arith.constant 0 : index
    %get3A_343 = arith.constant 2304 : index
    %get3A_344 = vector.load %arg2[%get3A_342, %get3A_343] : memref<64x8192xf32, #tpu.memory_space<vmem>>, vector<64x128xf32>
    %dot_general3A_345 = arith.constant dense<0.000000e+00> : vector<128x128xf32>
    %dot_general3A_346 = tpu.matmul %slice3A_341, %get3A_344, %dot_general3A_345 {dimension_numbers = #tpu.dot_dimension_numbers<[1], [0], [0], [1], [0, 0, 1, 1], [], []>, transpose_lhs_hint = false} : vector<128x64xf32>, vector<64x128xf32>, vector<128x128xf32> -> vector<128x128xf32>
    %slice3A_347 = vector.extract_strided_slice %get3A_340 {offsets = [0, 64], sizes = [128, 64], strides = [1, 1]} : vector<128x128xf32> to vector<128x64xf32>
    %get3A_348 = arith.constant 0 : index
    %get3A_349 = arith.constant 2304 : index
    %get3A_350 = vector.load %arg3[%get3A_348, %get3A_349] : memref<64x8192xf32, #tpu.memory_space<vmem>>, vector<64x128xf32>
    %dot_general3A_351 = arith.constant dense<0.000000e+00> : vector<128x128xf32>
    %dot_general3A_352 = tpu.matmul %slice3A_347, %get3A_350, %dot_general3A_351 {dimension_numbers = #tpu.dot_dimension_numbers<[1], [0], [0], [1], [0, 0, 1, 1], [], []>, transpose_lhs_hint = false} : vector<128x64xf32>, vector<64x128xf32>, vector<128x128xf32> -> vector<128x128xf32>
    %add3A_353 = arith.addf %dot_general3A_346, %dot_general3A_352 : vector<128x128xf32>
    %mul3A_354 = arith.mulf %add3A_353, %convert_element_type3A_1 : vector<128x128xf32>
    %reduce_sum3A_355 = arith.constant dense<0.000000e+00> : vector<128xf32>
    %reduce_sum3A_356 = vector.multi_reduction <add>, %mul3A_354, %reduce_sum3A_355 [0] : vector<128x128xf32> to vector<128xf32>
    %get3A_357 = arith.constant 2432 : index
    %get3A_358 = arith.constant 0 : index
    %get3A_359 = vector.load %arg1[%get3A_357, %get3A_358] : memref<8192x128xf32, #tpu.memory_space<vmem>>, vector<128x128xf32>
    %slice3A_360 = vector.extract_strided_slice %get3A_359 {offsets = [0, 0], sizes = [128, 64], strides = [1, 1]} : vector<128x128xf32> to vector<128x64xf32>
    %get3A_361 = arith.constant 0 : index
    %get3A_362 = arith.constant 2432 : index
    %get3A_363 = vector.load %arg2[%get3A_361, %get3A_362] : memref<64x8192xf32, #tpu.memory_space<vmem>>, vector<64x128xf32>
    %dot_general3A_364 = arith.constant dense<0.000000e+00> : vector<128x128xf32>
    %dot_general3A_365 = tpu.matmul %slice3A_360, %get3A_363, %dot_general3A_364 {dimension_numbers = #tpu.dot_dimension_numbers<[1], [0], [0], [1], [0, 0, 1, 1], [], []>, transpose_lhs_hint = false} : vector<128x64xf32>, vector<64x128xf32>, vector<128x128xf32> -> vector<128x128xf32>
    %slice3A_366 = vector.extract_strided_slice %get3A_359 {offsets = [0, 64], sizes = [128, 64], strides = [1, 1]} : vector<128x128xf32> to vector<128x64xf32>
    %get3A_367 = arith.constant 0 : index
    %get3A_368 = arith.constant 2432 : index
    %get3A_369 = vector.load %arg3[%get3A_367, %get3A_368] : memref<64x8192xf32, #tpu.memory_space<vmem>>, vector<64x128xf32>
    %dot_general3A_370 = arith.constant dense<0.000000e+00> : vector<128x128xf32>
    %dot_general3A_371 = tpu.matmul %slice3A_366, %get3A_369, %dot_general3A_370 {dimension_numbers = #tpu.dot_dimension_numbers<[1], [0], [0], [1], [0, 0, 1, 1], [], []>, transpose_lhs_hint = false} : vector<128x64xf32>, vector<64x128xf32>, vector<128x128xf32> -> vector<128x128xf32>
    %add3A_372 = arith.addf %dot_general3A_365, %dot_general3A_371 : vector<128x128xf32>
    %mul3A_373 = arith.mulf %add3A_372, %convert_element_type3A_1 : vector<128x128xf32>
    %reduce_sum3A_374 = arith.constant dense<0.000000e+00> : vector<128xf32>
    %reduce_sum3A_375 = vector.multi_reduction <add>, %mul3A_373, %reduce_sum3A_374 [0] : vector<128x128xf32> to vector<128xf32>
    %get3A_376 = arith.constant 2560 : index
    %get3A_377 = arith.constant 0 : index
    %get3A_378 = vector.load %arg1[%get3A_376, %get3A_377] : memref<8192x128xf32, #tpu.memory_space<vmem>>, vector<128x128xf32>
    %slice3A_379 = vector.extract_strided_slice %get3A_378 {offsets = [0, 0], sizes = [128, 64], strides = [1, 1]} : vector<128x128xf32> to vector<128x64xf32>
    %get3A_380 = arith.constant 0 : index
    %get3A_381 = arith.constant 2560 : index
    %get3A_382 = vector.load %arg2[%get3A_380, %get3A_381] : memref<64x8192xf32, #tpu.memory_space<vmem>>, vector<64x128xf32>
    %dot_general3A_383 = arith.constant dense<0.000000e+00> : vector<128x128xf32>
    %dot_general3A_384 = tpu.matmul %slice3A_379, %get3A_382, %dot_general3A_383 {dimension_numbers = #tpu.dot_dimension_numbers<[1], [0], [0], [1], [0, 0, 1, 1], [], []>, transpose_lhs_hint = false} : vector<128x64xf32>, vector<64x128xf32>, vector<128x128xf32> -> vector<128x128xf32>
    %slice3A_385 = vector.extract_strided_slice %get3A_378 {offsets = [0, 64], sizes = [128, 64], strides = [1, 1]} : vector<128x128xf32> to vector<128x64xf32>
    %get3A_386 = arith.constant 0 : index
    %get3A_387 = arith.constant 2560 : index
    %get3A_388 = vector.load %arg3[%get3A_386, %get3A_387] : memref<64x8192xf32, #tpu.memory_space<vmem>>, vector<64x128xf32>
    %dot_general3A_389 = arith.constant dense<0.000000e+00> : vector<128x128xf32>
    %dot_general3A_390 = tpu.matmul %slice3A_385, %get3A_388, %dot_general3A_389 {dimension_numbers = #tpu.dot_dimension_numbers<[1], [0], [0], [1], [0, 0, 1, 1], [], []>, transpose_lhs_hint = false} : vector<128x64xf32>, vector<64x128xf32>, vector<128x128xf32> -> vector<128x128xf32>
    %add3A_391 = arith.addf %dot_general3A_384, %dot_general3A_390 : vector<128x128xf32>
    %mul3A_392 = arith.mulf %add3A_391, %convert_element_type3A_1 : vector<128x128xf32>
    %reduce_sum3A_393 = arith.constant dense<0.000000e+00> : vector<128xf32>
    %reduce_sum3A_394 = vector.multi_reduction <add>, %mul3A_392, %reduce_sum3A_393 [0] : vector<128x128xf32> to vector<128xf32>
    %get3A_395 = arith.constant 2688 : index
    %get3A_396 = arith.constant 0 : index
    %get3A_397 = vector.load %arg1[%get3A_395, %get3A_396] : memref<8192x128xf32, #tpu.memory_space<vmem>>, vector<128x128xf32>
    %slice3A_398 = vector.extract_strided_slice %get3A_397 {offsets = [0, 0], sizes = [128, 64], strides = [1, 1]} : vector<128x128xf32> to vector<128x64xf32>
    %get3A_399 = arith.constant 0 : index
    %get3A_400 = arith.constant 2688 : index
    %get3A_401 = vector.load %arg2[%get3A_399, %get3A_400] : memref<64x8192xf32, #tpu.memory_space<vmem>>, vector<64x128xf32>
    %dot_general3A_402 = arith.constant dense<0.000000e+00> : vector<128x128xf32>
    %dot_general3A_403 = tpu.matmul %slice3A_398, %get3A_401, %dot_general3A_402 {dimension_numbers = #tpu.dot_dimension_numbers<[1], [0], [0], [1], [0, 0, 1, 1], [], []>, transpose_lhs_hint = false} : vector<128x64xf32>, vector<64x128xf32>, vector<128x128xf32> -> vector<128x128xf32>
    %slice3A_404 = vector.extract_strided_slice %get3A_397 {offsets = [0, 64], sizes = [128, 64], strides = [1, 1]} : vector<128x128xf32> to vector<128x64xf32>
    %get3A_405 = arith.constant 0 : index
    %get3A_406 = arith.constant 2688 : index
    %get3A_407 = vector.load %arg3[%get3A_405, %get3A_406] : memref<64x8192xf32, #tpu.memory_space<vmem>>, vector<64x128xf32>
    %dot_general3A_408 = arith.constant dense<0.000000e+00> : vector<128x128xf32>
    %dot_general3A_409 = tpu.matmul %slice3A_404, %get3A_407, %dot_general3A_408 {dimension_numbers = #tpu.dot_dimension_numbers<[1], [0], [0], [1], [0, 0, 1, 1], [], []>, transpose_lhs_hint = false} : vector<128x64xf32>, vector<64x128xf32>, vector<128x128xf32> -> vector<128x128xf32>
    %add3A_410 = arith.addf %dot_general3A_403, %dot_general3A_409 : vector<128x128xf32>
    %mul3A_411 = arith.mulf %add3A_410, %convert_element_type3A_1 : vector<128x128xf32>
    %reduce_sum3A_412 = arith.constant dense<0.000000e+00> : vector<128xf32>
    %reduce_sum3A_413 = vector.multi_reduction <add>, %mul3A_411, %reduce_sum3A_412 [0] : vector<128x128xf32> to vector<128xf32>
    %get3A_414 = arith.constant 2816 : index
    %get3A_415 = arith.constant 0 : index
    %get3A_416 = vector.load %arg1[%get3A_414, %get3A_415] : memref<8192x128xf32, #tpu.memory_space<vmem>>, vector<128x128xf32>
    %slice3A_417 = vector.extract_strided_slice %get3A_416 {offsets = [0, 0], sizes = [128, 64], strides = [1, 1]} : vector<128x128xf32> to vector<128x64xf32>
    %get3A_418 = arith.constant 0 : index
    %get3A_419 = arith.constant 2816 : index
    %get3A_420 = vector.load %arg2[%get3A_418, %get3A_419] : memref<64x8192xf32, #tpu.memory_space<vmem>>, vector<64x128xf32>
    %dot_general3A_421 = arith.constant dense<0.000000e+00> : vector<128x128xf32>
    %dot_general3A_422 = tpu.matmul %slice3A_417, %get3A_420, %dot_general3A_421 {dimension_numbers = #tpu.dot_dimension_numbers<[1], [0], [0], [1], [0, 0, 1, 1], [], []>, transpose_lhs_hint = false} : vector<128x64xf32>, vector<64x128xf32>, vector<128x128xf32> -> vector<128x128xf32>
    %slice3A_423 = vector.extract_strided_slice %get3A_416 {offsets = [0, 64], sizes = [128, 64], strides = [1, 1]} : vector<128x128xf32> to vector<128x64xf32>
    %get3A_424 = arith.constant 0 : index
    %get3A_425 = arith.constant 2816 : index
    %get3A_426 = vector.load %arg3[%get3A_424, %get3A_425] : memref<64x8192xf32, #tpu.memory_space<vmem>>, vector<64x128xf32>
    %dot_general3A_427 = arith.constant dense<0.000000e+00> : vector<128x128xf32>
    %dot_general3A_428 = tpu.matmul %slice3A_423, %get3A_426, %dot_general3A_427 {dimension_numbers = #tpu.dot_dimension_numbers<[1], [0], [0], [1], [0, 0, 1, 1], [], []>, transpose_lhs_hint = false} : vector<128x64xf32>, vector<64x128xf32>, vector<128x128xf32> -> vector<128x128xf32>
    %add3A_429 = arith.addf %dot_general3A_422, %dot_general3A_428 : vector<128x128xf32>
    %mul3A_430 = arith.mulf %add3A_429, %convert_element_type3A_1 : vector<128x128xf32>
    %reduce_sum3A_431 = arith.constant dense<0.000000e+00> : vector<128xf32>
    %reduce_sum3A_432 = vector.multi_reduction <add>, %mul3A_430, %reduce_sum3A_431 [0] : vector<128x128xf32> to vector<128xf32>
    %get3A_433 = arith.constant 2944 : index
    %get3A_434 = arith.constant 0 : index
    %get3A_435 = vector.load %arg1[%get3A_433, %get3A_434] : memref<8192x128xf32, #tpu.memory_space<vmem>>, vector<128x128xf32>
    %slice3A_436 = vector.extract_strided_slice %get3A_435 {offsets = [0, 0], sizes = [128, 64], strides = [1, 1]} : vector<128x128xf32> to vector<128x64xf32>
    %get3A_437 = arith.constant 0 : index
    %get3A_438 = arith.constant 2944 : index
    %get3A_439 = vector.load %arg2[%get3A_437, %get3A_438] : memref<64x8192xf32, #tpu.memory_space<vmem>>, vector<64x128xf32>
    %dot_general3A_440 = arith.constant dense<0.000000e+00> : vector<128x128xf32>
    %dot_general3A_441 = tpu.matmul %slice3A_436, %get3A_439, %dot_general3A_440 {dimension_numbers = #tpu.dot_dimension_numbers<[1], [0], [0], [1], [0, 0, 1, 1], [], []>, transpose_lhs_hint = false} : vector<128x64xf32>, vector<64x128xf32>, vector<128x128xf32> -> vector<128x128xf32>
    %slice3A_442 = vector.extract_strided_slice %get3A_435 {offsets = [0, 64], sizes = [128, 64], strides = [1, 1]} : vector<128x128xf32> to vector<128x64xf32>
    %get3A_443 = arith.constant 0 : index
    %get3A_444 = arith.constant 2944 : index
    %get3A_445 = vector.load %arg3[%get3A_443, %get3A_444] : memref<64x8192xf32, #tpu.memory_space<vmem>>, vector<64x128xf32>
    %dot_general3A_446 = arith.constant dense<0.000000e+00> : vector<128x128xf32>
    %dot_general3A_447 = tpu.matmul %slice3A_442, %get3A_445, %dot_general3A_446 {dimension_numbers = #tpu.dot_dimension_numbers<[1], [0], [0], [1], [0, 0, 1, 1], [], []>, transpose_lhs_hint = false} : vector<128x64xf32>, vector<64x128xf32>, vector<128x128xf32> -> vector<128x128xf32>
    %add3A_448 = arith.addf %dot_general3A_441, %dot_general3A_447 : vector<128x128xf32>
    %mul3A_449 = arith.mulf %add3A_448, %convert_element_type3A_1 : vector<128x128xf32>
    %reduce_sum3A_450 = arith.constant dense<0.000000e+00> : vector<128xf32>
    %reduce_sum3A_451 = vector.multi_reduction <add>, %mul3A_449, %reduce_sum3A_450 [0] : vector<128x128xf32> to vector<128xf32>
    %get3A_452 = arith.constant 3072 : index
    %get3A_453 = arith.constant 0 : index
    %get3A_454 = vector.load %arg1[%get3A_452, %get3A_453] : memref<8192x128xf32, #tpu.memory_space<vmem>>, vector<128x128xf32>
    %slice3A_455 = vector.extract_strided_slice %get3A_454 {offsets = [0, 0], sizes = [128, 64], strides = [1, 1]} : vector<128x128xf32> to vector<128x64xf32>
    %get3A_456 = arith.constant 0 : index
    %get3A_457 = arith.constant 3072 : index
    %get3A_458 = vector.load %arg2[%get3A_456, %get3A_457] : memref<64x8192xf32, #tpu.memory_space<vmem>>, vector<64x128xf32>
    %dot_general3A_459 = arith.constant dense<0.000000e+00> : vector<128x128xf32>
    %dot_general3A_460 = tpu.matmul %slice3A_455, %get3A_458, %dot_general3A_459 {dimension_numbers = #tpu.dot_dimension_numbers<[1], [0], [0], [1], [0, 0, 1, 1], [], []>, transpose_lhs_hint = false} : vector<128x64xf32>, vector<64x128xf32>, vector<128x128xf32> -> vector<128x128xf32>
    %slice3A_461 = vector.extract_strided_slice %get3A_454 {offsets = [0, 64], sizes = [128, 64], strides = [1, 1]} : vector<128x128xf32> to vector<128x64xf32>
    %get3A_462 = arith.constant 0 : index
    %get3A_463 = arith.constant 3072 : index
    %get3A_464 = vector.load %arg3[%get3A_462, %get3A_463] : memref<64x8192xf32, #tpu.memory_space<vmem>>, vector<64x128xf32>
    %dot_general3A_465 = arith.constant dense<0.000000e+00> : vector<128x128xf32>
    %dot_general3A_466 = tpu.matmul %slice3A_461, %get3A_464, %dot_general3A_465 {dimension_numbers = #tpu.dot_dimension_numbers<[1], [0], [0], [1], [0, 0, 1, 1], [], []>, transpose_lhs_hint = false} : vector<128x64xf32>, vector<64x128xf32>, vector<128x128xf32> -> vector<128x128xf32>
    %add3A_467 = arith.addf %dot_general3A_460, %dot_general3A_466 : vector<128x128xf32>
    %mul3A_468 = arith.mulf %add3A_467, %convert_element_type3A_1 : vector<128x128xf32>
    %reduce_sum3A_469 = arith.constant dense<0.000000e+00> : vector<128xf32>
    %reduce_sum3A_470 = vector.multi_reduction <add>, %mul3A_468, %reduce_sum3A_469 [0] : vector<128x128xf32> to vector<128xf32>
    %get3A_471 = arith.constant 3200 : index
    %get3A_472 = arith.constant 0 : index
    %get3A_473 = vector.load %arg1[%get3A_471, %get3A_472] : memref<8192x128xf32, #tpu.memory_space<vmem>>, vector<128x128xf32>
    %slice3A_474 = vector.extract_strided_slice %get3A_473 {offsets = [0, 0], sizes = [128, 64], strides = [1, 1]} : vector<128x128xf32> to vector<128x64xf32>
    %get3A_475 = arith.constant 0 : index
    %get3A_476 = arith.constant 3200 : index
    %get3A_477 = vector.load %arg2[%get3A_475, %get3A_476] : memref<64x8192xf32, #tpu.memory_space<vmem>>, vector<64x128xf32>
    %dot_general3A_478 = arith.constant dense<0.000000e+00> : vector<128x128xf32>
    %dot_general3A_479 = tpu.matmul %slice3A_474, %get3A_477, %dot_general3A_478 {dimension_numbers = #tpu.dot_dimension_numbers<[1], [0], [0], [1], [0, 0, 1, 1], [], []>, transpose_lhs_hint = false} : vector<128x64xf32>, vector<64x128xf32>, vector<128x128xf32> -> vector<128x128xf32>
    %slice3A_480 = vector.extract_strided_slice %get3A_473 {offsets = [0, 64], sizes = [128, 64], strides = [1, 1]} : vector<128x128xf32> to vector<128x64xf32>
    %get3A_481 = arith.constant 0 : index
    %get3A_482 = arith.constant 3200 : index
    %get3A_483 = vector.load %arg3[%get3A_481, %get3A_482] : memref<64x8192xf32, #tpu.memory_space<vmem>>, vector<64x128xf32>
    %dot_general3A_484 = arith.constant dense<0.000000e+00> : vector<128x128xf32>
    %dot_general3A_485 = tpu.matmul %slice3A_480, %get3A_483, %dot_general3A_484 {dimension_numbers = #tpu.dot_dimension_numbers<[1], [0], [0], [1], [0, 0, 1, 1], [], []>, transpose_lhs_hint = false} : vector<128x64xf32>, vector<64x128xf32>, vector<128x128xf32> -> vector<128x128xf32>
    %add3A_486 = arith.addf %dot_general3A_479, %dot_general3A_485 : vector<128x128xf32>
    %mul3A_487 = arith.mulf %add3A_486, %convert_element_type3A_1 : vector<128x128xf32>
    %reduce_sum3A_488 = arith.constant dense<0.000000e+00> : vector<128xf32>
    %reduce_sum3A_489 = vector.multi_reduction <add>, %mul3A_487, %reduce_sum3A_488 [0] : vector<128x128xf32> to vector<128xf32>
    %get3A_490 = arith.constant 3328 : index
    %get3A_491 = arith.constant 0 : index
    %get3A_492 = vector.load %arg1[%get3A_490, %get3A_491] : memref<8192x128xf32, #tpu.memory_space<vmem>>, vector<128x128xf32>
    %slice3A_493 = vector.extract_strided_slice %get3A_492 {offsets = [0, 0], sizes = [128, 64], strides = [1, 1]} : vector<128x128xf32> to vector<128x64xf32>
    %get3A_494 = arith.constant 0 : index
    %get3A_495 = arith.constant 3328 : index
    %get3A_496 = vector.load %arg2[%get3A_494, %get3A_495] : memref<64x8192xf32, #tpu.memory_space<vmem>>, vector<64x128xf32>
    %dot_general3A_497 = arith.constant dense<0.000000e+00> : vector<128x128xf32>
    %dot_general3A_498 = tpu.matmul %slice3A_493, %get3A_496, %dot_general3A_497 {dimension_numbers = #tpu.dot_dimension_numbers<[1], [0], [0], [1], [0, 0, 1, 1], [], []>, transpose_lhs_hint = false} : vector<128x64xf32>, vector<64x128xf32>, vector<128x128xf32> -> vector<128x128xf32>
    %slice3A_499 = vector.extract_strided_slice %get3A_492 {offsets = [0, 64], sizes = [128, 64], strides = [1, 1]} : vector<128x128xf32> to vector<128x64xf32>
    %get3A_500 = arith.constant 0 : index
    %get3A_501 = arith.constant 3328 : index
    %get3A_502 = vector.load %arg3[%get3A_500, %get3A_501] : memref<64x8192xf32, #tpu.memory_space<vmem>>, vector<64x128xf32>
    %dot_general3A_503 = arith.constant dense<0.000000e+00> : vector<128x128xf32>
    %dot_general3A_504 = tpu.matmul %slice3A_499, %get3A_502, %dot_general3A_503 {dimension_numbers = #tpu.dot_dimension_numbers<[1], [0], [0], [1], [0, 0, 1, 1], [], []>, transpose_lhs_hint = false} : vector<128x64xf32>, vector<64x128xf32>, vector<128x128xf32> -> vector<128x128xf32>
    %add3A_505 = arith.addf %dot_general3A_498, %dot_general3A_504 : vector<128x128xf32>
    %mul3A_506 = arith.mulf %add3A_505, %convert_element_type3A_1 : vector<128x128xf32>
    %reduce_sum3A_507 = arith.constant dense<0.000000e+00> : vector<128xf32>
    %reduce_sum3A_508 = vector.multi_reduction <add>, %mul3A_506, %reduce_sum3A_507 [0] : vector<128x128xf32> to vector<128xf32>
    %get3A_509 = arith.constant 3456 : index
    %get3A_510 = arith.constant 0 : index
    %get3A_511 = vector.load %arg1[%get3A_509, %get3A_510] : memref<8192x128xf32, #tpu.memory_space<vmem>>, vector<128x128xf32>
    %slice3A_512 = vector.extract_strided_slice %get3A_511 {offsets = [0, 0], sizes = [128, 64], strides = [1, 1]} : vector<128x128xf32> to vector<128x64xf32>
    %get3A_513 = arith.constant 0 : index
    %get3A_514 = arith.constant 3456 : index
    %get3A_515 = vector.load %arg2[%get3A_513, %get3A_514] : memref<64x8192xf32, #tpu.memory_space<vmem>>, vector<64x128xf32>
    %dot_general3A_516 = arith.constant dense<0.000000e+00> : vector<128x128xf32>
    %dot_general3A_517 = tpu.matmul %slice3A_512, %get3A_515, %dot_general3A_516 {dimension_numbers = #tpu.dot_dimension_numbers<[1], [0], [0], [1], [0, 0, 1, 1], [], []>, transpose_lhs_hint = false} : vector<128x64xf32>, vector<64x128xf32>, vector<128x128xf32> -> vector<128x128xf32>
    %slice3A_518 = vector.extract_strided_slice %get3A_511 {offsets = [0, 64], sizes = [128, 64], strides = [1, 1]} : vector<128x128xf32> to vector<128x64xf32>
    %get3A_519 = arith.constant 0 : index
    %get3A_520 = arith.constant 3456 : index
    %get3A_521 = vector.load %arg3[%get3A_519, %get3A_520] : memref<64x8192xf32, #tpu.memory_space<vmem>>, vector<64x128xf32>
    %dot_general3A_522 = arith.constant dense<0.000000e+00> : vector<128x128xf32>
    %dot_general3A_523 = tpu.matmul %slice3A_518, %get3A_521, %dot_general3A_522 {dimension_numbers = #tpu.dot_dimension_numbers<[1], [0], [0], [1], [0, 0, 1, 1], [], []>, transpose_lhs_hint = false} : vector<128x64xf32>, vector<64x128xf32>, vector<128x128xf32> -> vector<128x128xf32>
    %add3A_524 = arith.addf %dot_general3A_517, %dot_general3A_523 : vector<128x128xf32>
    %mul3A_525 = arith.mulf %add3A_524, %convert_element_type3A_1 : vector<128x128xf32>
    %reduce_sum3A_526 = arith.constant dense<0.000000e+00> : vector<128xf32>
    %reduce_sum3A_527 = vector.multi_reduction <add>, %mul3A_525, %reduce_sum3A_526 [0] : vector<128x128xf32> to vector<128xf32>
    %get3A_528 = arith.constant 3584 : index
    %get3A_529 = arith.constant 0 : index
    %get3A_530 = vector.load %arg1[%get3A_528, %get3A_529] : memref<8192x128xf32, #tpu.memory_space<vmem>>, vector<128x128xf32>
    %slice3A_531 = vector.extract_strided_slice %get3A_530 {offsets = [0, 0], sizes = [128, 64], strides = [1, 1]} : vector<128x128xf32> to vector<128x64xf32>
    %get3A_532 = arith.constant 0 : index
    %get3A_533 = arith.constant 3584 : index
    %get3A_534 = vector.load %arg2[%get3A_532, %get3A_533] : memref<64x8192xf32, #tpu.memory_space<vmem>>, vector<64x128xf32>
    %dot_general3A_535 = arith.constant dense<0.000000e+00> : vector<128x128xf32>
    %dot_general3A_536 = tpu.matmul %slice3A_531, %get3A_534, %dot_general3A_535 {dimension_numbers = #tpu.dot_dimension_numbers<[1], [0], [0], [1], [0, 0, 1, 1], [], []>, transpose_lhs_hint = false} : vector<128x64xf32>, vector<64x128xf32>, vector<128x128xf32> -> vector<128x128xf32>
    %slice3A_537 = vector.extract_strided_slice %get3A_530 {offsets = [0, 64], sizes = [128, 64], strides = [1, 1]} : vector<128x128xf32> to vector<128x64xf32>
    %get3A_538 = arith.constant 0 : index
    %get3A_539 = arith.constant 3584 : index
    %get3A_540 = vector.load %arg3[%get3A_538, %get3A_539] : memref<64x8192xf32, #tpu.memory_space<vmem>>, vector<64x128xf32>
    %dot_general3A_541 = arith.constant dense<0.000000e+00> : vector<128x128xf32>
    %dot_general3A_542 = tpu.matmul %slice3A_537, %get3A_540, %dot_general3A_541 {dimension_numbers = #tpu.dot_dimension_numbers<[1], [0], [0], [1], [0, 0, 1, 1], [], []>, transpose_lhs_hint = false} : vector<128x64xf32>, vector<64x128xf32>, vector<128x128xf32> -> vector<128x128xf32>
    %add3A_543 = arith.addf %dot_general3A_536, %dot_general3A_542 : vector<128x128xf32>
    %mul3A_544 = arith.mulf %add3A_543, %convert_element_type3A_1 : vector<128x128xf32>
    %reduce_sum3A_545 = arith.constant dense<0.000000e+00> : vector<128xf32>
    %reduce_sum3A_546 = vector.multi_reduction <add>, %mul3A_544, %reduce_sum3A_545 [0] : vector<128x128xf32> to vector<128xf32>
    %get3A_547 = arith.constant 3712 : index
    %get3A_548 = arith.constant 0 : index
    %get3A_549 = vector.load %arg1[%get3A_547, %get3A_548] : memref<8192x128xf32, #tpu.memory_space<vmem>>, vector<128x128xf32>
    %slice3A_550 = vector.extract_strided_slice %get3A_549 {offsets = [0, 0], sizes = [128, 64], strides = [1, 1]} : vector<128x128xf32> to vector<128x64xf32>
    %get3A_551 = arith.constant 0 : index
    %get3A_552 = arith.constant 3712 : index
    %get3A_553 = vector.load %arg2[%get3A_551, %get3A_552] : memref<64x8192xf32, #tpu.memory_space<vmem>>, vector<64x128xf32>
    %dot_general3A_554 = arith.constant dense<0.000000e+00> : vector<128x128xf32>
    %dot_general3A_555 = tpu.matmul %slice3A_550, %get3A_553, %dot_general3A_554 {dimension_numbers = #tpu.dot_dimension_numbers<[1], [0], [0], [1], [0, 0, 1, 1], [], []>, transpose_lhs_hint = false} : vector<128x64xf32>, vector<64x128xf32>, vector<128x128xf32> -> vector<128x128xf32>
    %slice3A_556 = vector.extract_strided_slice %get3A_549 {offsets = [0, 64], sizes = [128, 64], strides = [1, 1]} : vector<128x128xf32> to vector<128x64xf32>
    %get3A_557 = arith.constant 0 : index
    %get3A_558 = arith.constant 3712 : index
    %get3A_559 = vector.load %arg3[%get3A_557, %get3A_558] : memref<64x8192xf32, #tpu.memory_space<vmem>>, vector<64x128xf32>
    %dot_general3A_560 = arith.constant dense<0.000000e+00> : vector<128x128xf32>
    %dot_general3A_561 = tpu.matmul %slice3A_556, %get3A_559, %dot_general3A_560 {dimension_numbers = #tpu.dot_dimension_numbers<[1], [0], [0], [1], [0, 0, 1, 1], [], []>, transpose_lhs_hint = false} : vector<128x64xf32>, vector<64x128xf32>, vector<128x128xf32> -> vector<128x128xf32>
    %add3A_562 = arith.addf %dot_general3A_555, %dot_general3A_561 : vector<128x128xf32>
    %mul3A_563 = arith.mulf %add3A_562, %convert_element_type3A_1 : vector<128x128xf32>
    %reduce_sum3A_564 = arith.constant dense<0.000000e+00> : vector<128xf32>
    %reduce_sum3A_565 = vector.multi_reduction <add>, %mul3A_563, %reduce_sum3A_564 [0] : vector<128x128xf32> to vector<128xf32>
    %get3A_566 = arith.constant 3840 : index
    %get3A_567 = arith.constant 0 : index
    %get3A_568 = vector.load %arg1[%get3A_566, %get3A_567] : memref<8192x128xf32, #tpu.memory_space<vmem>>, vector<128x128xf32>
    %slice3A_569 = vector.extract_strided_slice %get3A_568 {offsets = [0, 0], sizes = [128, 64], strides = [1, 1]} : vector<128x128xf32> to vector<128x64xf32>
    %get3A_570 = arith.constant 0 : index
    %get3A_571 = arith.constant 3840 : index
    %get3A_572 = vector.load %arg2[%get3A_570, %get3A_571] : memref<64x8192xf32, #tpu.memory_space<vmem>>, vector<64x128xf32>
    %dot_general3A_573 = arith.constant dense<0.000000e+00> : vector<128x128xf32>
    %dot_general3A_574 = tpu.matmul %slice3A_569, %get3A_572, %dot_general3A_573 {dimension_numbers = #tpu.dot_dimension_numbers<[1], [0], [0], [1], [0, 0, 1, 1], [], []>, transpose_lhs_hint = false} : vector<128x64xf32>, vector<64x128xf32>, vector<128x128xf32> -> vector<128x128xf32>
    %slice3A_575 = vector.extract_strided_slice %get3A_568 {offsets = [0, 64], sizes = [128, 64], strides = [1, 1]} : vector<128x128xf32> to vector<128x64xf32>
    %get3A_576 = arith.constant 0 : index
    %get3A_577 = arith.constant 3840 : index
    %get3A_578 = vector.load %arg3[%get3A_576, %get3A_577] : memref<64x8192xf32, #tpu.memory_space<vmem>>, vector<64x128xf32>
    %dot_general3A_579 = arith.constant dense<0.000000e+00> : vector<128x128xf32>
    %dot_general3A_580 = tpu.matmul %slice3A_575, %get3A_578, %dot_general3A_579 {dimension_numbers = #tpu.dot_dimension_numbers<[1], [0], [0], [1], [0, 0, 1, 1], [], []>, transpose_lhs_hint = false} : vector<128x64xf32>, vector<64x128xf32>, vector<128x128xf32> -> vector<128x128xf32>
    %add3A_581 = arith.addf %dot_general3A_574, %dot_general3A_580 : vector<128x128xf32>
    %mul3A_582 = arith.mulf %add3A_581, %convert_element_type3A_1 : vector<128x128xf32>
    %reduce_sum3A_583 = arith.constant dense<0.000000e+00> : vector<128xf32>
    %reduce_sum3A_584 = vector.multi_reduction <add>, %mul3A_582, %reduce_sum3A_583 [0] : vector<128x128xf32> to vector<128xf32>
    %get3A_585 = arith.constant 3968 : index
    %get3A_586 = arith.constant 0 : index
    %get3A_587 = vector.load %arg1[%get3A_585, %get3A_586] : memref<8192x128xf32, #tpu.memory_space<vmem>>, vector<128x128xf32>
    %slice3A_588 = vector.extract_strided_slice %get3A_587 {offsets = [0, 0], sizes = [128, 64], strides = [1, 1]} : vector<128x128xf32> to vector<128x64xf32>
    %get3A_589 = arith.constant 0 : index
    %get3A_590 = arith.constant 3968 : index
    %get3A_591 = vector.load %arg2[%get3A_589, %get3A_590] : memref<64x8192xf32, #tpu.memory_space<vmem>>, vector<64x128xf32>
    %dot_general3A_592 = arith.constant dense<0.000000e+00> : vector<128x128xf32>
    %dot_general3A_593 = tpu.matmul %slice3A_588, %get3A_591, %dot_general3A_592 {dimension_numbers = #tpu.dot_dimension_numbers<[1], [0], [0], [1], [0, 0, 1, 1], [], []>, transpose_lhs_hint = false} : vector<128x64xf32>, vector<64x128xf32>, vector<128x128xf32> -> vector<128x128xf32>
    %slice3A_594 = vector.extract_strided_slice %get3A_587 {offsets = [0, 64], sizes = [128, 64], strides = [1, 1]} : vector<128x128xf32> to vector<128x64xf32>
    %get3A_595 = arith.constant 0 : index
    %get3A_596 = arith.constant 3968 : index
    %get3A_597 = vector.load %arg3[%get3A_595, %get3A_596] : memref<64x8192xf32, #tpu.memory_space<vmem>>, vector<64x128xf32>
    %dot_general3A_598 = arith.constant dense<0.000000e+00> : vector<128x128xf32>
    %dot_general3A_599 = tpu.matmul %slice3A_594, %get3A_597, %dot_general3A_598 {dimension_numbers = #tpu.dot_dimension_numbers<[1], [0], [0], [1], [0, 0, 1, 1], [], []>, transpose_lhs_hint = false} : vector<128x64xf32>, vector<64x128xf32>, vector<128x128xf32> -> vector<128x128xf32>
    %add3A_600 = arith.addf %dot_general3A_593, %dot_general3A_599 : vector<128x128xf32>
    %mul3A_601 = arith.mulf %add3A_600, %convert_element_type3A_1 : vector<128x128xf32>
    %reduce_sum3A_602 = arith.constant dense<0.000000e+00> : vector<128xf32>
    %reduce_sum3A_603 = vector.multi_reduction <add>, %mul3A_601, %reduce_sum3A_602 [0] : vector<128x128xf32> to vector<128xf32>
    %get3A_604 = arith.constant 4096 : index
    %get3A_605 = arith.constant 0 : index
    %get3A_606 = vector.load %arg1[%get3A_604, %get3A_605] : memref<8192x128xf32, #tpu.memory_space<vmem>>, vector<128x128xf32>
    %slice3A_607 = vector.extract_strided_slice %get3A_606 {offsets = [0, 0], sizes = [128, 64], strides = [1, 1]} : vector<128x128xf32> to vector<128x64xf32>
    %get3A_608 = arith.constant 0 : index
    %get3A_609 = arith.constant 4096 : index
    %get3A_610 = vector.load %arg2[%get3A_608, %get3A_609] : memref<64x8192xf32, #tpu.memory_space<vmem>>, vector<64x128xf32>
    %dot_general3A_611 = arith.constant dense<0.000000e+00> : vector<128x128xf32>
    %dot_general3A_612 = tpu.matmul %slice3A_607, %get3A_610, %dot_general3A_611 {dimension_numbers = #tpu.dot_dimension_numbers<[1], [0], [0], [1], [0, 0, 1, 1], [], []>, transpose_lhs_hint = false} : vector<128x64xf32>, vector<64x128xf32>, vector<128x128xf32> -> vector<128x128xf32>
    %slice3A_613 = vector.extract_strided_slice %get3A_606 {offsets = [0, 64], sizes = [128, 64], strides = [1, 1]} : vector<128x128xf32> to vector<128x64xf32>
    %get3A_614 = arith.constant 0 : index
    %get3A_615 = arith.constant 4096 : index
    %get3A_616 = vector.load %arg3[%get3A_614, %get3A_615] : memref<64x8192xf32, #tpu.memory_space<vmem>>, vector<64x128xf32>
    %dot_general3A_617 = arith.constant dense<0.000000e+00> : vector<128x128xf32>
    %dot_general3A_618 = tpu.matmul %slice3A_613, %get3A_616, %dot_general3A_617 {dimension_numbers = #tpu.dot_dimension_numbers<[1], [0], [0], [1], [0, 0, 1, 1], [], []>, transpose_lhs_hint = false} : vector<128x64xf32>, vector<64x128xf32>, vector<128x128xf32> -> vector<128x128xf32>
    %add3A_619 = arith.addf %dot_general3A_612, %dot_general3A_618 : vector<128x128xf32>
    %mul3A_620 = arith.mulf %add3A_619, %convert_element_type3A_1 : vector<128x128xf32>
    %reduce_sum3A_621 = arith.constant dense<0.000000e+00> : vector<128xf32>
    %reduce_sum3A_622 = vector.multi_reduction <add>, %mul3A_620, %reduce_sum3A_621 [0] : vector<128x128xf32> to vector<128xf32>
    %get3A_623 = arith.constant 4224 : index
    %get3A_624 = arith.constant 0 : index
    %get3A_625 = vector.load %arg1[%get3A_623, %get3A_624] : memref<8192x128xf32, #tpu.memory_space<vmem>>, vector<128x128xf32>
    %slice3A_626 = vector.extract_strided_slice %get3A_625 {offsets = [0, 0], sizes = [128, 64], strides = [1, 1]} : vector<128x128xf32> to vector<128x64xf32>
    %get3A_627 = arith.constant 0 : index
    %get3A_628 = arith.constant 4224 : index
    %get3A_629 = vector.load %arg2[%get3A_627, %get3A_628] : memref<64x8192xf32, #tpu.memory_space<vmem>>, vector<64x128xf32>
    %dot_general3A_630 = arith.constant dense<0.000000e+00> : vector<128x128xf32>
    %dot_general3A_631 = tpu.matmul %slice3A_626, %get3A_629, %dot_general3A_630 {dimension_numbers = #tpu.dot_dimension_numbers<[1], [0], [0], [1], [0, 0, 1, 1], [], []>, transpose_lhs_hint = false} : vector<128x64xf32>, vector<64x128xf32>, vector<128x128xf32> -> vector<128x128xf32>
    %slice3A_632 = vector.extract_strided_slice %get3A_625 {offsets = [0, 64], sizes = [128, 64], strides = [1, 1]} : vector<128x128xf32> to vector<128x64xf32>
    %get3A_633 = arith.constant 0 : index
    %get3A_634 = arith.constant 4224 : index
    %get3A_635 = vector.load %arg3[%get3A_633, %get3A_634] : memref<64x8192xf32, #tpu.memory_space<vmem>>, vector<64x128xf32>
    %dot_general3A_636 = arith.constant dense<0.000000e+00> : vector<128x128xf32>
    %dot_general3A_637 = tpu.matmul %slice3A_632, %get3A_635, %dot_general3A_636 {dimension_numbers = #tpu.dot_dimension_numbers<[1], [0], [0], [1], [0, 0, 1, 1], [], []>, transpose_lhs_hint = false} : vector<128x64xf32>, vector<64x128xf32>, vector<128x128xf32> -> vector<128x128xf32>
    %add3A_638 = arith.addf %dot_general3A_631, %dot_general3A_637 : vector<128x128xf32>
    %mul3A_639 = arith.mulf %add3A_638, %convert_element_type3A_1 : vector<128x128xf32>
    %reduce_sum3A_640 = arith.constant dense<0.000000e+00> : vector<128xf32>
    %reduce_sum3A_641 = vector.multi_reduction <add>, %mul3A_639, %reduce_sum3A_640 [0] : vector<128x128xf32> to vector<128xf32>
    %get3A_642 = arith.constant 4352 : index
    %get3A_643 = arith.constant 0 : index
    %get3A_644 = vector.load %arg1[%get3A_642, %get3A_643] : memref<8192x128xf32, #tpu.memory_space<vmem>>, vector<128x128xf32>
    %slice3A_645 = vector.extract_strided_slice %get3A_644 {offsets = [0, 0], sizes = [128, 64], strides = [1, 1]} : vector<128x128xf32> to vector<128x64xf32>
    %get3A_646 = arith.constant 0 : index
    %get3A_647 = arith.constant 4352 : index
    %get3A_648 = vector.load %arg2[%get3A_646, %get3A_647] : memref<64x8192xf32, #tpu.memory_space<vmem>>, vector<64x128xf32>
    %dot_general3A_649 = arith.constant dense<0.000000e+00> : vector<128x128xf32>
    %dot_general3A_650 = tpu.matmul %slice3A_645, %get3A_648, %dot_general3A_649 {dimension_numbers = #tpu.dot_dimension_numbers<[1], [0], [0], [1], [0, 0, 1, 1], [], []>, transpose_lhs_hint = false} : vector<128x64xf32>, vector<64x128xf32>, vector<128x128xf32> -> vector<128x128xf32>
    %slice3A_651 = vector.extract_strided_slice %get3A_644 {offsets = [0, 64], sizes = [128, 64], strides = [1, 1]} : vector<128x128xf32> to vector<128x64xf32>
    %get3A_652 = arith.constant 0 : index
    %get3A_653 = arith.constant 4352 : index
    %get3A_654 = vector.load %arg3[%get3A_652, %get3A_653] : memref<64x8192xf32, #tpu.memory_space<vmem>>, vector<64x128xf32>
    %dot_general3A_655 = arith.constant dense<0.000000e+00> : vector<128x128xf32>
    %dot_general3A_656 = tpu.matmul %slice3A_651, %get3A_654, %dot_general3A_655 {dimension_numbers = #tpu.dot_dimension_numbers<[1], [0], [0], [1], [0, 0, 1, 1], [], []>, transpose_lhs_hint = false} : vector<128x64xf32>, vector<64x128xf32>, vector<128x128xf32> -> vector<128x128xf32>
    %add3A_657 = arith.addf %dot_general3A_650, %dot_general3A_656 : vector<128x128xf32>
    %mul3A_658 = arith.mulf %add3A_657, %convert_element_type3A_1 : vector<128x128xf32>
    %reduce_sum3A_659 = arith.constant dense<0.000000e+00> : vector<128xf32>
    %reduce_sum3A_660 = vector.multi_reduction <add>, %mul3A_658, %reduce_sum3A_659 [0] : vector<128x128xf32> to vector<128xf32>
    %get3A_661 = arith.constant 4480 : index
    %get3A_662 = arith.constant 0 : index
    %get3A_663 = vector.load %arg1[%get3A_661, %get3A_662] : memref<8192x128xf32, #tpu.memory_space<vmem>>, vector<128x128xf32>
    %slice3A_664 = vector.extract_strided_slice %get3A_663 {offsets = [0, 0], sizes = [128, 64], strides = [1, 1]} : vector<128x128xf32> to vector<128x64xf32>
    %get3A_665 = arith.constant 0 : index
    %get3A_666 = arith.constant 4480 : index
    %get3A_667 = vector.load %arg2[%get3A_665, %get3A_666] : memref<64x8192xf32, #tpu.memory_space<vmem>>, vector<64x128xf32>
    %dot_general3A_668 = arith.constant dense<0.000000e+00> : vector<128x128xf32>
    %dot_general3A_669 = tpu.matmul %slice3A_664, %get3A_667, %dot_general3A_668 {dimension_numbers = #tpu.dot_dimension_numbers<[1], [0], [0], [1], [0, 0, 1, 1], [], []>, transpose_lhs_hint = false} : vector<128x64xf32>, vector<64x128xf32>, vector<128x128xf32> -> vector<128x128xf32>
    %slice3A_670 = vector.extract_strided_slice %get3A_663 {offsets = [0, 64], sizes = [128, 64], strides = [1, 1]} : vector<128x128xf32> to vector<128x64xf32>
    %get3A_671 = arith.constant 0 : index
    %get3A_672 = arith.constant 4480 : index
    %get3A_673 = vector.load %arg3[%get3A_671, %get3A_672] : memref<64x8192xf32, #tpu.memory_space<vmem>>, vector<64x128xf32>
    %dot_general3A_674 = arith.constant dense<0.000000e+00> : vector<128x128xf32>
    %dot_general3A_675 = tpu.matmul %slice3A_670, %get3A_673, %dot_general3A_674 {dimension_numbers = #tpu.dot_dimension_numbers<[1], [0], [0], [1], [0, 0, 1, 1], [], []>, transpose_lhs_hint = false} : vector<128x64xf32>, vector<64x128xf32>, vector<128x128xf32> -> vector<128x128xf32>
    %add3A_676 = arith.addf %dot_general3A_669, %dot_general3A_675 : vector<128x128xf32>
    %mul3A_677 = arith.mulf %add3A_676, %convert_element_type3A_1 : vector<128x128xf32>
    %reduce_sum3A_678 = arith.constant dense<0.000000e+00> : vector<128xf32>
    %reduce_sum3A_679 = vector.multi_reduction <add>, %mul3A_677, %reduce_sum3A_678 [0] : vector<128x128xf32> to vector<128xf32>
    %get3A_680 = arith.constant 4608 : index
    %get3A_681 = arith.constant 0 : index
    %get3A_682 = vector.load %arg1[%get3A_680, %get3A_681] : memref<8192x128xf32, #tpu.memory_space<vmem>>, vector<128x128xf32>
    %slice3A_683 = vector.extract_strided_slice %get3A_682 {offsets = [0, 0], sizes = [128, 64], strides = [1, 1]} : vector<128x128xf32> to vector<128x64xf32>
    %get3A_684 = arith.constant 0 : index
    %get3A_685 = arith.constant 4608 : index
    %get3A_686 = vector.load %arg2[%get3A_684, %get3A_685] : memref<64x8192xf32, #tpu.memory_space<vmem>>, vector<64x128xf32>
    %dot_general3A_687 = arith.constant dense<0.000000e+00> : vector<128x128xf32>
    %dot_general3A_688 = tpu.matmul %slice3A_683, %get3A_686, %dot_general3A_687 {dimension_numbers = #tpu.dot_dimension_numbers<[1], [0], [0], [1], [0, 0, 1, 1], [], []>, transpose_lhs_hint = false} : vector<128x64xf32>, vector<64x128xf32>, vector<128x128xf32> -> vector<128x128xf32>
    %slice3A_689 = vector.extract_strided_slice %get3A_682 {offsets = [0, 64], sizes = [128, 64], strides = [1, 1]} : vector<128x128xf32> to vector<128x64xf32>
    %get3A_690 = arith.constant 0 : index
    %get3A_691 = arith.constant 4608 : index
    %get3A_692 = vector.load %arg3[%get3A_690, %get3A_691] : memref<64x8192xf32, #tpu.memory_space<vmem>>, vector<64x128xf32>
    %dot_general3A_693 = arith.constant dense<0.000000e+00> : vector<128x128xf32>
    %dot_general3A_694 = tpu.matmul %slice3A_689, %get3A_692, %dot_general3A_693 {dimension_numbers = #tpu.dot_dimension_numbers<[1], [0], [0], [1], [0, 0, 1, 1], [], []>, transpose_lhs_hint = false} : vector<128x64xf32>, vector<64x128xf32>, vector<128x128xf32> -> vector<128x128xf32>
    %add3A_695 = arith.addf %dot_general3A_688, %dot_general3A_694 : vector<128x128xf32>
    %mul3A_696 = arith.mulf %add3A_695, %convert_element_type3A_1 : vector<128x128xf32>
    %reduce_sum3A_697 = arith.constant dense<0.000000e+00> : vector<128xf32>
    %reduce_sum3A_698 = vector.multi_reduction <add>, %mul3A_696, %reduce_sum3A_697 [0] : vector<128x128xf32> to vector<128xf32>
    %get3A_699 = arith.constant 4736 : index
    %get3A_700 = arith.constant 0 : index
    %get3A_701 = vector.load %arg1[%get3A_699, %get3A_700] : memref<8192x128xf32, #tpu.memory_space<vmem>>, vector<128x128xf32>
    %slice3A_702 = vector.extract_strided_slice %get3A_701 {offsets = [0, 0], sizes = [128, 64], strides = [1, 1]} : vector<128x128xf32> to vector<128x64xf32>
    %get3A_703 = arith.constant 0 : index
    %get3A_704 = arith.constant 4736 : index
    %get3A_705 = vector.load %arg2[%get3A_703, %get3A_704] : memref<64x8192xf32, #tpu.memory_space<vmem>>, vector<64x128xf32>
    %dot_general3A_706 = arith.constant dense<0.000000e+00> : vector<128x128xf32>
    %dot_general3A_707 = tpu.matmul %slice3A_702, %get3A_705, %dot_general3A_706 {dimension_numbers = #tpu.dot_dimension_numbers<[1], [0], [0], [1], [0, 0, 1, 1], [], []>, transpose_lhs_hint = false} : vector<128x64xf32>, vector<64x128xf32>, vector<128x128xf32> -> vector<128x128xf32>
    %slice3A_708 = vector.extract_strided_slice %get3A_701 {offsets = [0, 64], sizes = [128, 64], strides = [1, 1]} : vector<128x128xf32> to vector<128x64xf32>
    %get3A_709 = arith.constant 0 : index
    %get3A_710 = arith.constant 4736 : index
    %get3A_711 = vector.load %arg3[%get3A_709, %get3A_710] : memref<64x8192xf32, #tpu.memory_space<vmem>>, vector<64x128xf32>
    %dot_general3A_712 = arith.constant dense<0.000000e+00> : vector<128x128xf32>
    %dot_general3A_713 = tpu.matmul %slice3A_708, %get3A_711, %dot_general3A_712 {dimension_numbers = #tpu.dot_dimension_numbers<[1], [0], [0], [1], [0, 0, 1, 1], [], []>, transpose_lhs_hint = false} : vector<128x64xf32>, vector<64x128xf32>, vector<128x128xf32> -> vector<128x128xf32>
    %add3A_714 = arith.addf %dot_general3A_707, %dot_general3A_713 : vector<128x128xf32>
    %mul3A_715 = arith.mulf %add3A_714, %convert_element_type3A_1 : vector<128x128xf32>
    %reduce_sum3A_716 = arith.constant dense<0.000000e+00> : vector<128xf32>
    %reduce_sum3A_717 = vector.multi_reduction <add>, %mul3A_715, %reduce_sum3A_716 [0] : vector<128x128xf32> to vector<128xf32>
    %get3A_718 = arith.constant 4864 : index
    %get3A_719 = arith.constant 0 : index
    %get3A_720 = vector.load %arg1[%get3A_718, %get3A_719] : memref<8192x128xf32, #tpu.memory_space<vmem>>, vector<128x128xf32>
    %slice3A_721 = vector.extract_strided_slice %get3A_720 {offsets = [0, 0], sizes = [128, 64], strides = [1, 1]} : vector<128x128xf32> to vector<128x64xf32>
    %get3A_722 = arith.constant 0 : index
    %get3A_723 = arith.constant 4864 : index
    %get3A_724 = vector.load %arg2[%get3A_722, %get3A_723] : memref<64x8192xf32, #tpu.memory_space<vmem>>, vector<64x128xf32>
    %dot_general3A_725 = arith.constant dense<0.000000e+00> : vector<128x128xf32>
    %dot_general3A_726 = tpu.matmul %slice3A_721, %get3A_724, %dot_general3A_725 {dimension_numbers = #tpu.dot_dimension_numbers<[1], [0], [0], [1], [0, 0, 1, 1], [], []>, transpose_lhs_hint = false} : vector<128x64xf32>, vector<64x128xf32>, vector<128x128xf32> -> vector<128x128xf32>
    %slice3A_727 = vector.extract_strided_slice %get3A_720 {offsets = [0, 64], sizes = [128, 64], strides = [1, 1]} : vector<128x128xf32> to vector<128x64xf32>
    %get3A_728 = arith.constant 0 : index
    %get3A_729 = arith.constant 4864 : index
    %get3A_730 = vector.load %arg3[%get3A_728, %get3A_729] : memref<64x8192xf32, #tpu.memory_space<vmem>>, vector<64x128xf32>
    %dot_general3A_731 = arith.constant dense<0.000000e+00> : vector<128x128xf32>
    %dot_general3A_732 = tpu.matmul %slice3A_727, %get3A_730, %dot_general3A_731 {dimension_numbers = #tpu.dot_dimension_numbers<[1], [0], [0], [1], [0, 0, 1, 1], [], []>, transpose_lhs_hint = false} : vector<128x64xf32>, vector<64x128xf32>, vector<128x128xf32> -> vector<128x128xf32>
    %add3A_733 = arith.addf %dot_general3A_726, %dot_general3A_732 : vector<128x128xf32>
    %mul3A_734 = arith.mulf %add3A_733, %convert_element_type3A_1 : vector<128x128xf32>
    %reduce_sum3A_735 = arith.constant dense<0.000000e+00> : vector<128xf32>
    %reduce_sum3A_736 = vector.multi_reduction <add>, %mul3A_734, %reduce_sum3A_735 [0] : vector<128x128xf32> to vector<128xf32>
    %get3A_737 = arith.constant 4992 : index
    %get3A_738 = arith.constant 0 : index
    %get3A_739 = vector.load %arg1[%get3A_737, %get3A_738] : memref<8192x128xf32, #tpu.memory_space<vmem>>, vector<128x128xf32>
    %slice3A_740 = vector.extract_strided_slice %get3A_739 {offsets = [0, 0], sizes = [128, 64], strides = [1, 1]} : vector<128x128xf32> to vector<128x64xf32>
    %get3A_741 = arith.constant 0 : index
    %get3A_742 = arith.constant 4992 : index
    %get3A_743 = vector.load %arg2[%get3A_741, %get3A_742] : memref<64x8192xf32, #tpu.memory_space<vmem>>, vector<64x128xf32>
    %dot_general3A_744 = arith.constant dense<0.000000e+00> : vector<128x128xf32>
    %dot_general3A_745 = tpu.matmul %slice3A_740, %get3A_743, %dot_general3A_744 {dimension_numbers = #tpu.dot_dimension_numbers<[1], [0], [0], [1], [0, 0, 1, 1], [], []>, transpose_lhs_hint = false} : vector<128x64xf32>, vector<64x128xf32>, vector<128x128xf32> -> vector<128x128xf32>
    %slice3A_746 = vector.extract_strided_slice %get3A_739 {offsets = [0, 64], sizes = [128, 64], strides = [1, 1]} : vector<128x128xf32> to vector<128x64xf32>
    %get3A_747 = arith.constant 0 : index
    %get3A_748 = arith.constant 4992 : index
    %get3A_749 = vector.load %arg3[%get3A_747, %get3A_748] : memref<64x8192xf32, #tpu.memory_space<vmem>>, vector<64x128xf32>
    %dot_general3A_750 = arith.constant dense<0.000000e+00> : vector<128x128xf32>
    %dot_general3A_751 = tpu.matmul %slice3A_746, %get3A_749, %dot_general3A_750 {dimension_numbers = #tpu.dot_dimension_numbers<[1], [0], [0], [1], [0, 0, 1, 1], [], []>, transpose_lhs_hint = false} : vector<128x64xf32>, vector<64x128xf32>, vector<128x128xf32> -> vector<128x128xf32>
    %add3A_752 = arith.addf %dot_general3A_745, %dot_general3A_751 : vector<128x128xf32>
    %mul3A_753 = arith.mulf %add3A_752, %convert_element_type3A_1 : vector<128x128xf32>
    %reduce_sum3A_754 = arith.constant dense<0.000000e+00> : vector<128xf32>
    %reduce_sum3A_755 = vector.multi_reduction <add>, %mul3A_753, %reduce_sum3A_754 [0] : vector<128x128xf32> to vector<128xf32>
    %get3A_756 = arith.constant 5120 : index
    %get3A_757 = arith.constant 0 : index
    %get3A_758 = vector.load %arg1[%get3A_756, %get3A_757] : memref<8192x128xf32, #tpu.memory_space<vmem>>, vector<128x128xf32>
    %slice3A_759 = vector.extract_strided_slice %get3A_758 {offsets = [0, 0], sizes = [128, 64], strides = [1, 1]} : vector<128x128xf32> to vector<128x64xf32>
    %get3A_760 = arith.constant 0 : index
    %get3A_761 = arith.constant 5120 : index
    %get3A_762 = vector.load %arg2[%get3A_760, %get3A_761] : memref<64x8192xf32, #tpu.memory_space<vmem>>, vector<64x128xf32>
    %dot_general3A_763 = arith.constant dense<0.000000e+00> : vector<128x128xf32>
    %dot_general3A_764 = tpu.matmul %slice3A_759, %get3A_762, %dot_general3A_763 {dimension_numbers = #tpu.dot_dimension_numbers<[1], [0], [0], [1], [0, 0, 1, 1], [], []>, transpose_lhs_hint = false} : vector<128x64xf32>, vector<64x128xf32>, vector<128x128xf32> -> vector<128x128xf32>
    %slice3A_765 = vector.extract_strided_slice %get3A_758 {offsets = [0, 64], sizes = [128, 64], strides = [1, 1]} : vector<128x128xf32> to vector<128x64xf32>
    %get3A_766 = arith.constant 0 : index
    %get3A_767 = arith.constant 5120 : index
    %get3A_768 = vector.load %arg3[%get3A_766, %get3A_767] : memref<64x8192xf32, #tpu.memory_space<vmem>>, vector<64x128xf32>
    %dot_general3A_769 = arith.constant dense<0.000000e+00> : vector<128x128xf32>
    %dot_general3A_770 = tpu.matmul %slice3A_765, %get3A_768, %dot_general3A_769 {dimension_numbers = #tpu.dot_dimension_numbers<[1], [0], [0], [1], [0, 0, 1, 1], [], []>, transpose_lhs_hint = false} : vector<128x64xf32>, vector<64x128xf32>, vector<128x128xf32> -> vector<128x128xf32>
    %add3A_771 = arith.addf %dot_general3A_764, %dot_general3A_770 : vector<128x128xf32>
    %mul3A_772 = arith.mulf %add3A_771, %convert_element_type3A_1 : vector<128x128xf32>
    %reduce_sum3A_773 = arith.constant dense<0.000000e+00> : vector<128xf32>
    %reduce_sum3A_774 = vector.multi_reduction <add>, %mul3A_772, %reduce_sum3A_773 [0] : vector<128x128xf32> to vector<128xf32>
    %get3A_775 = arith.constant 5248 : index
    %get3A_776 = arith.constant 0 : index
    %get3A_777 = vector.load %arg1[%get3A_775, %get3A_776] : memref<8192x128xf32, #tpu.memory_space<vmem>>, vector<128x128xf32>
    %slice3A_778 = vector.extract_strided_slice %get3A_777 {offsets = [0, 0], sizes = [128, 64], strides = [1, 1]} : vector<128x128xf32> to vector<128x64xf32>
    %get3A_779 = arith.constant 0 : index
    %get3A_780 = arith.constant 5248 : index
    %get3A_781 = vector.load %arg2[%get3A_779, %get3A_780] : memref<64x8192xf32, #tpu.memory_space<vmem>>, vector<64x128xf32>
    %dot_general3A_782 = arith.constant dense<0.000000e+00> : vector<128x128xf32>
    %dot_general3A_783 = tpu.matmul %slice3A_778, %get3A_781, %dot_general3A_782 {dimension_numbers = #tpu.dot_dimension_numbers<[1], [0], [0], [1], [0, 0, 1, 1], [], []>, transpose_lhs_hint = false} : vector<128x64xf32>, vector<64x128xf32>, vector<128x128xf32> -> vector<128x128xf32>
    %slice3A_784 = vector.extract_strided_slice %get3A_777 {offsets = [0, 64], sizes = [128, 64], strides = [1, 1]} : vector<128x128xf32> to vector<128x64xf32>
    %get3A_785 = arith.constant 0 : index
    %get3A_786 = arith.constant 5248 : index
    %get3A_787 = vector.load %arg3[%get3A_785, %get3A_786] : memref<64x8192xf32, #tpu.memory_space<vmem>>, vector<64x128xf32>
    %dot_general3A_788 = arith.constant dense<0.000000e+00> : vector<128x128xf32>
    %dot_general3A_789 = tpu.matmul %slice3A_784, %get3A_787, %dot_general3A_788 {dimension_numbers = #tpu.dot_dimension_numbers<[1], [0], [0], [1], [0, 0, 1, 1], [], []>, transpose_lhs_hint = false} : vector<128x64xf32>, vector<64x128xf32>, vector<128x128xf32> -> vector<128x128xf32>
    %add3A_790 = arith.addf %dot_general3A_783, %dot_general3A_789 : vector<128x128xf32>
    %mul3A_791 = arith.mulf %add3A_790, %convert_element_type3A_1 : vector<128x128xf32>
    %reduce_sum3A_792 = arith.constant dense<0.000000e+00> : vector<128xf32>
    %reduce_sum3A_793 = vector.multi_reduction <add>, %mul3A_791, %reduce_sum3A_792 [0] : vector<128x128xf32> to vector<128xf32>
    %get3A_794 = arith.constant 5376 : index
    %get3A_795 = arith.constant 0 : index
    %get3A_796 = vector.load %arg1[%get3A_794, %get3A_795] : memref<8192x128xf32, #tpu.memory_space<vmem>>, vector<128x128xf32>
    %slice3A_797 = vector.extract_strided_slice %get3A_796 {offsets = [0, 0], sizes = [128, 64], strides = [1, 1]} : vector<128x128xf32> to vector<128x64xf32>
    %get3A_798 = arith.constant 0 : index
    %get3A_799 = arith.constant 5376 : index
    %get3A_800 = vector.load %arg2[%get3A_798, %get3A_799] : memref<64x8192xf32, #tpu.memory_space<vmem>>, vector<64x128xf32>
    %dot_general3A_801 = arith.constant dense<0.000000e+00> : vector<128x128xf32>
    %dot_general3A_802 = tpu.matmul %slice3A_797, %get3A_800, %dot_general3A_801 {dimension_numbers = #tpu.dot_dimension_numbers<[1], [0], [0], [1], [0, 0, 1, 1], [], []>, transpose_lhs_hint = false} : vector<128x64xf32>, vector<64x128xf32>, vector<128x128xf32> -> vector<128x128xf32>
    %slice3A_803 = vector.extract_strided_slice %get3A_796 {offsets = [0, 64], sizes = [128, 64], strides = [1, 1]} : vector<128x128xf32> to vector<128x64xf32>
    %get3A_804 = arith.constant 0 : index
    %get3A_805 = arith.constant 5376 : index
    %get3A_806 = vector.load %arg3[%get3A_804, %get3A_805] : memref<64x8192xf32, #tpu.memory_space<vmem>>, vector<64x128xf32>
    %dot_general3A_807 = arith.constant dense<0.000000e+00> : vector<128x128xf32>
    %dot_general3A_808 = tpu.matmul %slice3A_803, %get3A_806, %dot_general3A_807 {dimension_numbers = #tpu.dot_dimension_numbers<[1], [0], [0], [1], [0, 0, 1, 1], [], []>, transpose_lhs_hint = false} : vector<128x64xf32>, vector<64x128xf32>, vector<128x128xf32> -> vector<128x128xf32>
    %add3A_809 = arith.addf %dot_general3A_802, %dot_general3A_808 : vector<128x128xf32>
    %mul3A_810 = arith.mulf %add3A_809, %convert_element_type3A_1 : vector<128x128xf32>
    %reduce_sum3A_811 = arith.constant dense<0.000000e+00> : vector<128xf32>
    %reduce_sum3A_812 = vector.multi_reduction <add>, %mul3A_810, %reduce_sum3A_811 [0] : vector<128x128xf32> to vector<128xf32>
    %get3A_813 = arith.constant 5504 : index
    %get3A_814 = arith.constant 0 : index
    %get3A_815 = vector.load %arg1[%get3A_813, %get3A_814] : memref<8192x128xf32, #tpu.memory_space<vmem>>, vector<128x128xf32>
    %slice3A_816 = vector.extract_strided_slice %get3A_815 {offsets = [0, 0], sizes = [128, 64], strides = [1, 1]} : vector<128x128xf32> to vector<128x64xf32>
    %get3A_817 = arith.constant 0 : index
    %get3A_818 = arith.constant 5504 : index
    %get3A_819 = vector.load %arg2[%get3A_817, %get3A_818] : memref<64x8192xf32, #tpu.memory_space<vmem>>, vector<64x128xf32>
    %dot_general3A_820 = arith.constant dense<0.000000e+00> : vector<128x128xf32>
    %dot_general3A_821 = tpu.matmul %slice3A_816, %get3A_819, %dot_general3A_820 {dimension_numbers = #tpu.dot_dimension_numbers<[1], [0], [0], [1], [0, 0, 1, 1], [], []>, transpose_lhs_hint = false} : vector<128x64xf32>, vector<64x128xf32>, vector<128x128xf32> -> vector<128x128xf32>
    %slice3A_822 = vector.extract_strided_slice %get3A_815 {offsets = [0, 64], sizes = [128, 64], strides = [1, 1]} : vector<128x128xf32> to vector<128x64xf32>
    %get3A_823 = arith.constant 0 : index
    %get3A_824 = arith.constant 5504 : index
    %get3A_825 = vector.load %arg3[%get3A_823, %get3A_824] : memref<64x8192xf32, #tpu.memory_space<vmem>>, vector<64x128xf32>
    %dot_general3A_826 = arith.constant dense<0.000000e+00> : vector<128x128xf32>
    %dot_general3A_827 = tpu.matmul %slice3A_822, %get3A_825, %dot_general3A_826 {dimension_numbers = #tpu.dot_dimension_numbers<[1], [0], [0], [1], [0, 0, 1, 1], [], []>, transpose_lhs_hint = false} : vector<128x64xf32>, vector<64x128xf32>, vector<128x128xf32> -> vector<128x128xf32>
    %add3A_828 = arith.addf %dot_general3A_821, %dot_general3A_827 : vector<128x128xf32>
    %mul3A_829 = arith.mulf %add3A_828, %convert_element_type3A_1 : vector<128x128xf32>
    %reduce_sum3A_830 = arith.constant dense<0.000000e+00> : vector<128xf32>
    %reduce_sum3A_831 = vector.multi_reduction <add>, %mul3A_829, %reduce_sum3A_830 [0] : vector<128x128xf32> to vector<128xf32>
    %get3A_832 = arith.constant 5632 : index
    %get3A_833 = arith.constant 0 : index
    %get3A_834 = vector.load %arg1[%get3A_832, %get3A_833] : memref<8192x128xf32, #tpu.memory_space<vmem>>, vector<128x128xf32>
    %slice3A_835 = vector.extract_strided_slice %get3A_834 {offsets = [0, 0], sizes = [128, 64], strides = [1, 1]} : vector<128x128xf32> to vector<128x64xf32>
    %get3A_836 = arith.constant 0 : index
    %get3A_837 = arith.constant 5632 : index
    %get3A_838 = vector.load %arg2[%get3A_836, %get3A_837] : memref<64x8192xf32, #tpu.memory_space<vmem>>, vector<64x128xf32>
    %dot_general3A_839 = arith.constant dense<0.000000e+00> : vector<128x128xf32>
    %dot_general3A_840 = tpu.matmul %slice3A_835, %get3A_838, %dot_general3A_839 {dimension_numbers = #tpu.dot_dimension_numbers<[1], [0], [0], [1], [0, 0, 1, 1], [], []>, transpose_lhs_hint = false} : vector<128x64xf32>, vector<64x128xf32>, vector<128x128xf32> -> vector<128x128xf32>
    %slice3A_841 = vector.extract_strided_slice %get3A_834 {offsets = [0, 64], sizes = [128, 64], strides = [1, 1]} : vector<128x128xf32> to vector<128x64xf32>
    %get3A_842 = arith.constant 0 : index
    %get3A_843 = arith.constant 5632 : index
    %get3A_844 = vector.load %arg3[%get3A_842, %get3A_843] : memref<64x8192xf32, #tpu.memory_space<vmem>>, vector<64x128xf32>
    %dot_general3A_845 = arith.constant dense<0.000000e+00> : vector<128x128xf32>
    %dot_general3A_846 = tpu.matmul %slice3A_841, %get3A_844, %dot_general3A_845 {dimension_numbers = #tpu.dot_dimension_numbers<[1], [0], [0], [1], [0, 0, 1, 1], [], []>, transpose_lhs_hint = false} : vector<128x64xf32>, vector<64x128xf32>, vector<128x128xf32> -> vector<128x128xf32>
    %add3A_847 = arith.addf %dot_general3A_840, %dot_general3A_846 : vector<128x128xf32>
    %mul3A_848 = arith.mulf %add3A_847, %convert_element_type3A_1 : vector<128x128xf32>
    %reduce_sum3A_849 = arith.constant dense<0.000000e+00> : vector<128xf32>
    %reduce_sum3A_850 = vector.multi_reduction <add>, %mul3A_848, %reduce_sum3A_849 [0] : vector<128x128xf32> to vector<128xf32>
    %get3A_851 = arith.constant 5760 : index
    %get3A_852 = arith.constant 0 : index
    %get3A_853 = vector.load %arg1[%get3A_851, %get3A_852] : memref<8192x128xf32, #tpu.memory_space<vmem>>, vector<128x128xf32>
    %slice3A_854 = vector.extract_strided_slice %get3A_853 {offsets = [0, 0], sizes = [128, 64], strides = [1, 1]} : vector<128x128xf32> to vector<128x64xf32>
    %get3A_855 = arith.constant 0 : index
    %get3A_856 = arith.constant 5760 : index
    %get3A_857 = vector.load %arg2[%get3A_855, %get3A_856] : memref<64x8192xf32, #tpu.memory_space<vmem>>, vector<64x128xf32>
    %dot_general3A_858 = arith.constant dense<0.000000e+00> : vector<128x128xf32>
    %dot_general3A_859 = tpu.matmul %slice3A_854, %get3A_857, %dot_general3A_858 {dimension_numbers = #tpu.dot_dimension_numbers<[1], [0], [0], [1], [0, 0, 1, 1], [], []>, transpose_lhs_hint = false} : vector<128x64xf32>, vector<64x128xf32>, vector<128x128xf32> -> vector<128x128xf32>
    %slice3A_860 = vector.extract_strided_slice %get3A_853 {offsets = [0, 64], sizes = [128, 64], strides = [1, 1]} : vector<128x128xf32> to vector<128x64xf32>
    %get3A_861 = arith.constant 0 : index
    %get3A_862 = arith.constant 5760 : index
    %get3A_863 = vector.load %arg3[%get3A_861, %get3A_862] : memref<64x8192xf32, #tpu.memory_space<vmem>>, vector<64x128xf32>
    %dot_general3A_864 = arith.constant dense<0.000000e+00> : vector<128x128xf32>
    %dot_general3A_865 = tpu.matmul %slice3A_860, %get3A_863, %dot_general3A_864 {dimension_numbers = #tpu.dot_dimension_numbers<[1], [0], [0], [1], [0, 0, 1, 1], [], []>, transpose_lhs_hint = false} : vector<128x64xf32>, vector<64x128xf32>, vector<128x128xf32> -> vector<128x128xf32>
    %add3A_866 = arith.addf %dot_general3A_859, %dot_general3A_865 : vector<128x128xf32>
    %mul3A_867 = arith.mulf %add3A_866, %convert_element_type3A_1 : vector<128x128xf32>
    %reduce_sum3A_868 = arith.constant dense<0.000000e+00> : vector<128xf32>
    %reduce_sum3A_869 = vector.multi_reduction <add>, %mul3A_867, %reduce_sum3A_868 [0] : vector<128x128xf32> to vector<128xf32>
    %get3A_870 = arith.constant 5888 : index
    %get3A_871 = arith.constant 0 : index
    %get3A_872 = vector.load %arg1[%get3A_870, %get3A_871] : memref<8192x128xf32, #tpu.memory_space<vmem>>, vector<128x128xf32>
    %slice3A_873 = vector.extract_strided_slice %get3A_872 {offsets = [0, 0], sizes = [128, 64], strides = [1, 1]} : vector<128x128xf32> to vector<128x64xf32>
    %get3A_874 = arith.constant 0 : index
    %get3A_875 = arith.constant 5888 : index
    %get3A_876 = vector.load %arg2[%get3A_874, %get3A_875] : memref<64x8192xf32, #tpu.memory_space<vmem>>, vector<64x128xf32>
    %dot_general3A_877 = arith.constant dense<0.000000e+00> : vector<128x128xf32>
    %dot_general3A_878 = tpu.matmul %slice3A_873, %get3A_876, %dot_general3A_877 {dimension_numbers = #tpu.dot_dimension_numbers<[1], [0], [0], [1], [0, 0, 1, 1], [], []>, transpose_lhs_hint = false} : vector<128x64xf32>, vector<64x128xf32>, vector<128x128xf32> -> vector<128x128xf32>
    %slice3A_879 = vector.extract_strided_slice %get3A_872 {offsets = [0, 64], sizes = [128, 64], strides = [1, 1]} : vector<128x128xf32> to vector<128x64xf32>
    %get3A_880 = arith.constant 0 : index
    %get3A_881 = arith.constant 5888 : index
    %get3A_882 = vector.load %arg3[%get3A_880, %get3A_881] : memref<64x8192xf32, #tpu.memory_space<vmem>>, vector<64x128xf32>
    %dot_general3A_883 = arith.constant dense<0.000000e+00> : vector<128x128xf32>
    %dot_general3A_884 = tpu.matmul %slice3A_879, %get3A_882, %dot_general3A_883 {dimension_numbers = #tpu.dot_dimension_numbers<[1], [0], [0], [1], [0, 0, 1, 1], [], []>, transpose_lhs_hint = false} : vector<128x64xf32>, vector<64x128xf32>, vector<128x128xf32> -> vector<128x128xf32>
    %add3A_885 = arith.addf %dot_general3A_878, %dot_general3A_884 : vector<128x128xf32>
    %mul3A_886 = arith.mulf %add3A_885, %convert_element_type3A_1 : vector<128x128xf32>
    %reduce_sum3A_887 = arith.constant dense<0.000000e+00> : vector<128xf32>
    %reduce_sum3A_888 = vector.multi_reduction <add>, %mul3A_886, %reduce_sum3A_887 [0] : vector<128x128xf32> to vector<128xf32>
    %get3A_889 = arith.constant 6016 : index
    %get3A_890 = arith.constant 0 : index
    %get3A_891 = vector.load %arg1[%get3A_889, %get3A_890] : memref<8192x128xf32, #tpu.memory_space<vmem>>, vector<128x128xf32>
    %slice3A_892 = vector.extract_strided_slice %get3A_891 {offsets = [0, 0], sizes = [128, 64], strides = [1, 1]} : vector<128x128xf32> to vector<128x64xf32>
    %get3A_893 = arith.constant 0 : index
    %get3A_894 = arith.constant 6016 : index
    %get3A_895 = vector.load %arg2[%get3A_893, %get3A_894] : memref<64x8192xf32, #tpu.memory_space<vmem>>, vector<64x128xf32>
    %dot_general3A_896 = arith.constant dense<0.000000e+00> : vector<128x128xf32>
    %dot_general3A_897 = tpu.matmul %slice3A_892, %get3A_895, %dot_general3A_896 {dimension_numbers = #tpu.dot_dimension_numbers<[1], [0], [0], [1], [0, 0, 1, 1], [], []>, transpose_lhs_hint = false} : vector<128x64xf32>, vector<64x128xf32>, vector<128x128xf32> -> vector<128x128xf32>
    %slice3A_898 = vector.extract_strided_slice %get3A_891 {offsets = [0, 64], sizes = [128, 64], strides = [1, 1]} : vector<128x128xf32> to vector<128x64xf32>
    %get3A_899 = arith.constant 0 : index
    %get3A_900 = arith.constant 6016 : index
    %get3A_901 = vector.load %arg3[%get3A_899, %get3A_900] : memref<64x8192xf32, #tpu.memory_space<vmem>>, vector<64x128xf32>
    %dot_general3A_902 = arith.constant dense<0.000000e+00> : vector<128x128xf32>
    %dot_general3A_903 = tpu.matmul %slice3A_898, %get3A_901, %dot_general3A_902 {dimension_numbers = #tpu.dot_dimension_numbers<[1], [0], [0], [1], [0, 0, 1, 1], [], []>, transpose_lhs_hint = false} : vector<128x64xf32>, vector<64x128xf32>, vector<128x128xf32> -> vector<128x128xf32>
    %add3A_904 = arith.addf %dot_general3A_897, %dot_general3A_903 : vector<128x128xf32>
    %mul3A_905 = arith.mulf %add3A_904, %convert_element_type3A_1 : vector<128x128xf32>
    %reduce_sum3A_906 = arith.constant dense<0.000000e+00> : vector<128xf32>
    %reduce_sum3A_907 = vector.multi_reduction <add>, %mul3A_905, %reduce_sum3A_906 [0] : vector<128x128xf32> to vector<128xf32>
    %get3A_908 = arith.constant 6144 : index
    %get3A_909 = arith.constant 0 : index
    %get3A_910 = vector.load %arg1[%get3A_908, %get3A_909] : memref<8192x128xf32, #tpu.memory_space<vmem>>, vector<128x128xf32>
    %slice3A_911 = vector.extract_strided_slice %get3A_910 {offsets = [0, 0], sizes = [128, 64], strides = [1, 1]} : vector<128x128xf32> to vector<128x64xf32>
    %get3A_912 = arith.constant 0 : index
    %get3A_913 = arith.constant 6144 : index
    %get3A_914 = vector.load %arg2[%get3A_912, %get3A_913] : memref<64x8192xf32, #tpu.memory_space<vmem>>, vector<64x128xf32>
    %dot_general3A_915 = arith.constant dense<0.000000e+00> : vector<128x128xf32>
    %dot_general3A_916 = tpu.matmul %slice3A_911, %get3A_914, %dot_general3A_915 {dimension_numbers = #tpu.dot_dimension_numbers<[1], [0], [0], [1], [0, 0, 1, 1], [], []>, transpose_lhs_hint = false} : vector<128x64xf32>, vector<64x128xf32>, vector<128x128xf32> -> vector<128x128xf32>
    %slice3A_917 = vector.extract_strided_slice %get3A_910 {offsets = [0, 64], sizes = [128, 64], strides = [1, 1]} : vector<128x128xf32> to vector<128x64xf32>
    %get3A_918 = arith.constant 0 : index
    %get3A_919 = arith.constant 6144 : index
    %get3A_920 = vector.load %arg3[%get3A_918, %get3A_919] : memref<64x8192xf32, #tpu.memory_space<vmem>>, vector<64x128xf32>
    %dot_general3A_921 = arith.constant dense<0.000000e+00> : vector<128x128xf32>
    %dot_general3A_922 = tpu.matmul %slice3A_917, %get3A_920, %dot_general3A_921 {dimension_numbers = #tpu.dot_dimension_numbers<[1], [0], [0], [1], [0, 0, 1, 1], [], []>, transpose_lhs_hint = false} : vector<128x64xf32>, vector<64x128xf32>, vector<128x128xf32> -> vector<128x128xf32>
    %add3A_923 = arith.addf %dot_general3A_916, %dot_general3A_922 : vector<128x128xf32>
    %mul3A_924 = arith.mulf %add3A_923, %convert_element_type3A_1 : vector<128x128xf32>
    %reduce_sum3A_925 = arith.constant dense<0.000000e+00> : vector<128xf32>
    %reduce_sum3A_926 = vector.multi_reduction <add>, %mul3A_924, %reduce_sum3A_925 [0] : vector<128x128xf32> to vector<128xf32>
    %get3A_927 = arith.constant 6272 : index
    %get3A_928 = arith.constant 0 : index
    %get3A_929 = vector.load %arg1[%get3A_927, %get3A_928] : memref<8192x128xf32, #tpu.memory_space<vmem>>, vector<128x128xf32>
    %slice3A_930 = vector.extract_strided_slice %get3A_929 {offsets = [0, 0], sizes = [128, 64], strides = [1, 1]} : vector<128x128xf32> to vector<128x64xf32>
    %get3A_931 = arith.constant 0 : index
    %get3A_932 = arith.constant 6272 : index
    %get3A_933 = vector.load %arg2[%get3A_931, %get3A_932] : memref<64x8192xf32, #tpu.memory_space<vmem>>, vector<64x128xf32>
    %dot_general3A_934 = arith.constant dense<0.000000e+00> : vector<128x128xf32>
    %dot_general3A_935 = tpu.matmul %slice3A_930, %get3A_933, %dot_general3A_934 {dimension_numbers = #tpu.dot_dimension_numbers<[1], [0], [0], [1], [0, 0, 1, 1], [], []>, transpose_lhs_hint = false} : vector<128x64xf32>, vector<64x128xf32>, vector<128x128xf32> -> vector<128x128xf32>
    %slice3A_936 = vector.extract_strided_slice %get3A_929 {offsets = [0, 64], sizes = [128, 64], strides = [1, 1]} : vector<128x128xf32> to vector<128x64xf32>
    %get3A_937 = arith.constant 0 : index
    %get3A_938 = arith.constant 6272 : index
    %get3A_939 = vector.load %arg3[%get3A_937, %get3A_938] : memref<64x8192xf32, #tpu.memory_space<vmem>>, vector<64x128xf32>
    %dot_general3A_940 = arith.constant dense<0.000000e+00> : vector<128x128xf32>
    %dot_general3A_941 = tpu.matmul %slice3A_936, %get3A_939, %dot_general3A_940 {dimension_numbers = #tpu.dot_dimension_numbers<[1], [0], [0], [1], [0, 0, 1, 1], [], []>, transpose_lhs_hint = false} : vector<128x64xf32>, vector<64x128xf32>, vector<128x128xf32> -> vector<128x128xf32>
    %add3A_942 = arith.addf %dot_general3A_935, %dot_general3A_941 : vector<128x128xf32>
    %mul3A_943 = arith.mulf %add3A_942, %convert_element_type3A_1 : vector<128x128xf32>
    %reduce_sum3A_944 = arith.constant dense<0.000000e+00> : vector<128xf32>
    %reduce_sum3A_945 = vector.multi_reduction <add>, %mul3A_943, %reduce_sum3A_944 [0] : vector<128x128xf32> to vector<128xf32>
    %get3A_946 = arith.constant 6400 : index
    %get3A_947 = arith.constant 0 : index
    %get3A_948 = vector.load %arg1[%get3A_946, %get3A_947] : memref<8192x128xf32, #tpu.memory_space<vmem>>, vector<128x128xf32>
    %slice3A_949 = vector.extract_strided_slice %get3A_948 {offsets = [0, 0], sizes = [128, 64], strides = [1, 1]} : vector<128x128xf32> to vector<128x64xf32>
    %get3A_950 = arith.constant 0 : index
    %get3A_951 = arith.constant 6400 : index
    %get3A_952 = vector.load %arg2[%get3A_950, %get3A_951] : memref<64x8192xf32, #tpu.memory_space<vmem>>, vector<64x128xf32>
    %dot_general3A_953 = arith.constant dense<0.000000e+00> : vector<128x128xf32>
    %dot_general3A_954 = tpu.matmul %slice3A_949, %get3A_952, %dot_general3A_953 {dimension_numbers = #tpu.dot_dimension_numbers<[1], [0], [0], [1], [0, 0, 1, 1], [], []>, transpose_lhs_hint = false} : vector<128x64xf32>, vector<64x128xf32>, vector<128x128xf32> -> vector<128x128xf32>
    %slice3A_955 = vector.extract_strided_slice %get3A_948 {offsets = [0, 64], sizes = [128, 64], strides = [1, 1]} : vector<128x128xf32> to vector<128x64xf32>
    %get3A_956 = arith.constant 0 : index
    %get3A_957 = arith.constant 6400 : index
    %get3A_958 = vector.load %arg3[%get3A_956, %get3A_957] : memref<64x8192xf32, #tpu.memory_space<vmem>>, vector<64x128xf32>
    %dot_general3A_959 = arith.constant dense<0.000000e+00> : vector<128x128xf32>
    %dot_general3A_960 = tpu.matmul %slice3A_955, %get3A_958, %dot_general3A_959 {dimension_numbers = #tpu.dot_dimension_numbers<[1], [0], [0], [1], [0, 0, 1, 1], [], []>, transpose_lhs_hint = false} : vector<128x64xf32>, vector<64x128xf32>, vector<128x128xf32> -> vector<128x128xf32>
    %add3A_961 = arith.addf %dot_general3A_954, %dot_general3A_960 : vector<128x128xf32>
    %mul3A_962 = arith.mulf %add3A_961, %convert_element_type3A_1 : vector<128x128xf32>
    %reduce_sum3A_963 = arith.constant dense<0.000000e+00> : vector<128xf32>
    %reduce_sum3A_964 = vector.multi_reduction <add>, %mul3A_962, %reduce_sum3A_963 [0] : vector<128x128xf32> to vector<128xf32>
    %get3A_965 = arith.constant 6528 : index
    %get3A_966 = arith.constant 0 : index
    %get3A_967 = vector.load %arg1[%get3A_965, %get3A_966] : memref<8192x128xf32, #tpu.memory_space<vmem>>, vector<128x128xf32>
    %slice3A_968 = vector.extract_strided_slice %get3A_967 {offsets = [0, 0], sizes = [128, 64], strides = [1, 1]} : vector<128x128xf32> to vector<128x64xf32>
    %get3A_969 = arith.constant 0 : index
    %get3A_970 = arith.constant 6528 : index
    %get3A_971 = vector.load %arg2[%get3A_969, %get3A_970] : memref<64x8192xf32, #tpu.memory_space<vmem>>, vector<64x128xf32>
    %dot_general3A_972 = arith.constant dense<0.000000e+00> : vector<128x128xf32>
    %dot_general3A_973 = tpu.matmul %slice3A_968, %get3A_971, %dot_general3A_972 {dimension_numbers = #tpu.dot_dimension_numbers<[1], [0], [0], [1], [0, 0, 1, 1], [], []>, transpose_lhs_hint = false} : vector<128x64xf32>, vector<64x128xf32>, vector<128x128xf32> -> vector<128x128xf32>
    %slice3A_974 = vector.extract_strided_slice %get3A_967 {offsets = [0, 64], sizes = [128, 64], strides = [1, 1]} : vector<128x128xf32> to vector<128x64xf32>
    %get3A_975 = arith.constant 0 : index
    %get3A_976 = arith.constant 6528 : index
    %get3A_977 = vector.load %arg3[%get3A_975, %get3A_976] : memref<64x8192xf32, #tpu.memory_space<vmem>>, vector<64x128xf32>
    %dot_general3A_978 = arith.constant dense<0.000000e+00> : vector<128x128xf32>
    %dot_general3A_979 = tpu.matmul %slice3A_974, %get3A_977, %dot_general3A_978 {dimension_numbers = #tpu.dot_dimension_numbers<[1], [0], [0], [1], [0, 0, 1, 1], [], []>, transpose_lhs_hint = false} : vector<128x64xf32>, vector<64x128xf32>, vector<128x128xf32> -> vector<128x128xf32>
    %add3A_980 = arith.addf %dot_general3A_973, %dot_general3A_979 : vector<128x128xf32>
    %mul3A_981 = arith.mulf %add3A_980, %convert_element_type3A_1 : vector<128x128xf32>
    %reduce_sum3A_982 = arith.constant dense<0.000000e+00> : vector<128xf32>
    %reduce_sum3A_983 = vector.multi_reduction <add>, %mul3A_981, %reduce_sum3A_982 [0] : vector<128x128xf32> to vector<128xf32>
    %get3A_984 = arith.constant 6656 : index
    %get3A_985 = arith.constant 0 : index
    %get3A_986 = vector.load %arg1[%get3A_984, %get3A_985] : memref<8192x128xf32, #tpu.memory_space<vmem>>, vector<128x128xf32>
    %slice3A_987 = vector.extract_strided_slice %get3A_986 {offsets = [0, 0], sizes = [128, 64], strides = [1, 1]} : vector<128x128xf32> to vector<128x64xf32>
    %get3A_988 = arith.constant 0 : index
    %get3A_989 = arith.constant 6656 : index
    %get3A_990 = vector.load %arg2[%get3A_988, %get3A_989] : memref<64x8192xf32, #tpu.memory_space<vmem>>, vector<64x128xf32>
    %dot_general3A_991 = arith.constant dense<0.000000e+00> : vector<128x128xf32>
    %dot_general3A_992 = tpu.matmul %slice3A_987, %get3A_990, %dot_general3A_991 {dimension_numbers = #tpu.dot_dimension_numbers<[1], [0], [0], [1], [0, 0, 1, 1], [], []>, transpose_lhs_hint = false} : vector<128x64xf32>, vector<64x128xf32>, vector<128x128xf32> -> vector<128x128xf32>
    %slice3A_993 = vector.extract_strided_slice %get3A_986 {offsets = [0, 64], sizes = [128, 64], strides = [1, 1]} : vector<128x128xf32> to vector<128x64xf32>
    %get3A_994 = arith.constant 0 : index
    %get3A_995 = arith.constant 6656 : index
    %get3A_996 = vector.load %arg3[%get3A_994, %get3A_995] : memref<64x8192xf32, #tpu.memory_space<vmem>>, vector<64x128xf32>
    %dot_general3A_997 = arith.constant dense<0.000000e+00> : vector<128x128xf32>
    %dot_general3A_998 = tpu.matmul %slice3A_993, %get3A_996, %dot_general3A_997 {dimension_numbers = #tpu.dot_dimension_numbers<[1], [0], [0], [1], [0, 0, 1, 1], [], []>, transpose_lhs_hint = false} : vector<128x64xf32>, vector<64x128xf32>, vector<128x128xf32> -> vector<128x128xf32>
    %add3A_999 = arith.addf %dot_general3A_992, %dot_general3A_998 : vector<128x128xf32>
    %mul3A_1000 = arith.mulf %add3A_999, %convert_element_type3A_1 : vector<128x128xf32>
    %reduce_sum3A_1001 = arith.constant dense<0.000000e+00> : vector<128xf32>
    %reduce_sum3A_1002 = vector.multi_reduction <add>, %mul3A_1000, %reduce_sum3A_1001 [0] : vector<128x128xf32> to vector<128xf32>
    %get3A_1003 = arith.constant 6784 : index
    %get3A_1004 = arith.constant 0 : index
    %get3A_1005 = vector.load %arg1[%get3A_1003, %get3A_1004] : memref<8192x128xf32, #tpu.memory_space<vmem>>, vector<128x128xf32>
    %slice3A_1006 = vector.extract_strided_slice %get3A_1005 {offsets = [0, 0], sizes = [128, 64], strides = [1, 1]} : vector<128x128xf32> to vector<128x64xf32>
    %get3A_1007 = arith.constant 0 : index
    %get3A_1008 = arith.constant 6784 : index
    %get3A_1009 = vector.load %arg2[%get3A_1007, %get3A_1008] : memref<64x8192xf32, #tpu.memory_space<vmem>>, vector<64x128xf32>
    %dot_general3A_1010 = arith.constant dense<0.000000e+00> : vector<128x128xf32>
    %dot_general3A_1011 = tpu.matmul %slice3A_1006, %get3A_1009, %dot_general3A_1010 {dimension_numbers = #tpu.dot_dimension_numbers<[1], [0], [0], [1], [0, 0, 1, 1], [], []>, transpose_lhs_hint = false} : vector<128x64xf32>, vector<64x128xf32>, vector<128x128xf32> -> vector<128x128xf32>
    %slice3A_1012 = vector.extract_strided_slice %get3A_1005 {offsets = [0, 64], sizes = [128, 64], strides = [1, 1]} : vector<128x128xf32> to vector<128x64xf32>
    %get3A_1013 = arith.constant 0 : index
    %get3A_1014 = arith.constant 6784 : index
    %get3A_1015 = vector.load %arg3[%get3A_1013, %get3A_1014] : memref<64x8192xf32, #tpu.memory_space<vmem>>, vector<64x128xf32>
    %dot_general3A_1016 = arith.constant dense<0.000000e+00> : vector<128x128xf32>
    %dot_general3A_1017 = tpu.matmul %slice3A_1012, %get3A_1015, %dot_general3A_1016 {dimension_numbers = #tpu.dot_dimension_numbers<[1], [0], [0], [1], [0, 0, 1, 1], [], []>, transpose_lhs_hint = false} : vector<128x64xf32>, vector<64x128xf32>, vector<128x128xf32> -> vector<128x128xf32>
    %add3A_1018 = arith.addf %dot_general3A_1011, %dot_general3A_1017 : vector<128x128xf32>
    %mul3A_1019 = arith.mulf %add3A_1018, %convert_element_type3A_1 : vector<128x128xf32>
    %reduce_sum3A_1020 = arith.constant dense<0.000000e+00> : vector<128xf32>
    %reduce_sum3A_1021 = vector.multi_reduction <add>, %mul3A_1019, %reduce_sum3A_1020 [0] : vector<128x128xf32> to vector<128xf32>
    %get3A_1022 = arith.constant 6912 : index
    %get3A_1023 = arith.constant 0 : index
    %get3A_1024 = vector.load %arg1[%get3A_1022, %get3A_1023] : memref<8192x128xf32, #tpu.memory_space<vmem>>, vector<128x128xf32>
    %slice3A_1025 = vector.extract_strided_slice %get3A_1024 {offsets = [0, 0], sizes = [128, 64], strides = [1, 1]} : vector<128x128xf32> to vector<128x64xf32>
    %get3A_1026 = arith.constant 0 : index
    %get3A_1027 = arith.constant 6912 : index
    %get3A_1028 = vector.load %arg2[%get3A_1026, %get3A_1027] : memref<64x8192xf32, #tpu.memory_space<vmem>>, vector<64x128xf32>
    %dot_general3A_1029 = arith.constant dense<0.000000e+00> : vector<128x128xf32>
    %dot_general3A_1030 = tpu.matmul %slice3A_1025, %get3A_1028, %dot_general3A_1029 {dimension_numbers = #tpu.dot_dimension_numbers<[1], [0], [0], [1], [0, 0, 1, 1], [], []>, transpose_lhs_hint = false} : vector<128x64xf32>, vector<64x128xf32>, vector<128x128xf32> -> vector<128x128xf32>
    %slice3A_1031 = vector.extract_strided_slice %get3A_1024 {offsets = [0, 64], sizes = [128, 64], strides = [1, 1]} : vector<128x128xf32> to vector<128x64xf32>
    %get3A_1032 = arith.constant 0 : index
    %get3A_1033 = arith.constant 6912 : index
    %get3A_1034 = vector.load %arg3[%get3A_1032, %get3A_1033] : memref<64x8192xf32, #tpu.memory_space<vmem>>, vector<64x128xf32>
    %dot_general3A_1035 = arith.constant dense<0.000000e+00> : vector<128x128xf32>
    %dot_general3A_1036 = tpu.matmul %slice3A_1031, %get3A_1034, %dot_general3A_1035 {dimension_numbers = #tpu.dot_dimension_numbers<[1], [0], [0], [1], [0, 0, 1, 1], [], []>, transpose_lhs_hint = false} : vector<128x64xf32>, vector<64x128xf32>, vector<128x128xf32> -> vector<128x128xf32>
    %add3A_1037 = arith.addf %dot_general3A_1030, %dot_general3A_1036 : vector<128x128xf32>
    %mul3A_1038 = arith.mulf %add3A_1037, %convert_element_type3A_1 : vector<128x128xf32>
    %reduce_sum3A_1039 = arith.constant dense<0.000000e+00> : vector<128xf32>
    %reduce_sum3A_1040 = vector.multi_reduction <add>, %mul3A_1038, %reduce_sum3A_1039 [0] : vector<128x128xf32> to vector<128xf32>
    %get3A_1041 = arith.constant 7040 : index
    %get3A_1042 = arith.constant 0 : index
    %get3A_1043 = vector.load %arg1[%get3A_1041, %get3A_1042] : memref<8192x128xf32, #tpu.memory_space<vmem>>, vector<128x128xf32>
    %slice3A_1044 = vector.extract_strided_slice %get3A_1043 {offsets = [0, 0], sizes = [128, 64], strides = [1, 1]} : vector<128x128xf32> to vector<128x64xf32>
    %get3A_1045 = arith.constant 0 : index
    %get3A_1046 = arith.constant 7040 : index
    %get3A_1047 = vector.load %arg2[%get3A_1045, %get3A_1046] : memref<64x8192xf32, #tpu.memory_space<vmem>>, vector<64x128xf32>
    %dot_general3A_1048 = arith.constant dense<0.000000e+00> : vector<128x128xf32>
    %dot_general3A_1049 = tpu.matmul %slice3A_1044, %get3A_1047, %dot_general3A_1048 {dimension_numbers = #tpu.dot_dimension_numbers<[1], [0], [0], [1], [0, 0, 1, 1], [], []>, transpose_lhs_hint = false} : vector<128x64xf32>, vector<64x128xf32>, vector<128x128xf32> -> vector<128x128xf32>
    %slice3A_1050 = vector.extract_strided_slice %get3A_1043 {offsets = [0, 64], sizes = [128, 64], strides = [1, 1]} : vector<128x128xf32> to vector<128x64xf32>
    %get3A_1051 = arith.constant 0 : index
    %get3A_1052 = arith.constant 7040 : index
    %get3A_1053 = vector.load %arg3[%get3A_1051, %get3A_1052] : memref<64x8192xf32, #tpu.memory_space<vmem>>, vector<64x128xf32>
    %dot_general3A_1054 = arith.constant dense<0.000000e+00> : vector<128x128xf32>
    %dot_general3A_1055 = tpu.matmul %slice3A_1050, %get3A_1053, %dot_general3A_1054 {dimension_numbers = #tpu.dot_dimension_numbers<[1], [0], [0], [1], [0, 0, 1, 1], [], []>, transpose_lhs_hint = false} : vector<128x64xf32>, vector<64x128xf32>, vector<128x128xf32> -> vector<128x128xf32>
    %add3A_1056 = arith.addf %dot_general3A_1049, %dot_general3A_1055 : vector<128x128xf32>
    %mul3A_1057 = arith.mulf %add3A_1056, %convert_element_type3A_1 : vector<128x128xf32>
    %reduce_sum3A_1058 = arith.constant dense<0.000000e+00> : vector<128xf32>
    %reduce_sum3A_1059 = vector.multi_reduction <add>, %mul3A_1057, %reduce_sum3A_1058 [0] : vector<128x128xf32> to vector<128xf32>
    %get3A_1060 = arith.constant 7168 : index
    %get3A_1061 = arith.constant 0 : index
    %get3A_1062 = vector.load %arg1[%get3A_1060, %get3A_1061] : memref<8192x128xf32, #tpu.memory_space<vmem>>, vector<128x128xf32>
    %slice3A_1063 = vector.extract_strided_slice %get3A_1062 {offsets = [0, 0], sizes = [128, 64], strides = [1, 1]} : vector<128x128xf32> to vector<128x64xf32>
    %get3A_1064 = arith.constant 0 : index
    %get3A_1065 = arith.constant 7168 : index
    %get3A_1066 = vector.load %arg2[%get3A_1064, %get3A_1065] : memref<64x8192xf32, #tpu.memory_space<vmem>>, vector<64x128xf32>
    %dot_general3A_1067 = arith.constant dense<0.000000e+00> : vector<128x128xf32>
    %dot_general3A_1068 = tpu.matmul %slice3A_1063, %get3A_1066, %dot_general3A_1067 {dimension_numbers = #tpu.dot_dimension_numbers<[1], [0], [0], [1], [0, 0, 1, 1], [], []>, transpose_lhs_hint = false} : vector<128x64xf32>, vector<64x128xf32>, vector<128x128xf32> -> vector<128x128xf32>
    %slice3A_1069 = vector.extract_strided_slice %get3A_1062 {offsets = [0, 64], sizes = [128, 64], strides = [1, 1]} : vector<128x128xf32> to vector<128x64xf32>
    %get3A_1070 = arith.constant 0 : index
    %get3A_1071 = arith.constant 7168 : index
    %get3A_1072 = vector.load %arg3[%get3A_1070, %get3A_1071] : memref<64x8192xf32, #tpu.memory_space<vmem>>, vector<64x128xf32>
    %dot_general3A_1073 = arith.constant dense<0.000000e+00> : vector<128x128xf32>
    %dot_general3A_1074 = tpu.matmul %slice3A_1069, %get3A_1072, %dot_general3A_1073 {dimension_numbers = #tpu.dot_dimension_numbers<[1], [0], [0], [1], [0, 0, 1, 1], [], []>, transpose_lhs_hint = false} : vector<128x64xf32>, vector<64x128xf32>, vector<128x128xf32> -> vector<128x128xf32>
    %add3A_1075 = arith.addf %dot_general3A_1068, %dot_general3A_1074 : vector<128x128xf32>
    %mul3A_1076 = arith.mulf %add3A_1075, %convert_element_type3A_1 : vector<128x128xf32>
    %reduce_sum3A_1077 = arith.constant dense<0.000000e+00> : vector<128xf32>
    %reduce_sum3A_1078 = vector.multi_reduction <add>, %mul3A_1076, %reduce_sum3A_1077 [0] : vector<128x128xf32> to vector<128xf32>
    %get3A_1079 = arith.constant 7296 : index
    %get3A_1080 = arith.constant 0 : index
    %get3A_1081 = vector.load %arg1[%get3A_1079, %get3A_1080] : memref<8192x128xf32, #tpu.memory_space<vmem>>, vector<128x128xf32>
    %slice3A_1082 = vector.extract_strided_slice %get3A_1081 {offsets = [0, 0], sizes = [128, 64], strides = [1, 1]} : vector<128x128xf32> to vector<128x64xf32>
    %get3A_1083 = arith.constant 0 : index
    %get3A_1084 = arith.constant 7296 : index
    %get3A_1085 = vector.load %arg2[%get3A_1083, %get3A_1084] : memref<64x8192xf32, #tpu.memory_space<vmem>>, vector<64x128xf32>
    %dot_general3A_1086 = arith.constant dense<0.000000e+00> : vector<128x128xf32>
    %dot_general3A_1087 = tpu.matmul %slice3A_1082, %get3A_1085, %dot_general3A_1086 {dimension_numbers = #tpu.dot_dimension_numbers<[1], [0], [0], [1], [0, 0, 1, 1], [], []>, transpose_lhs_hint = false} : vector<128x64xf32>, vector<64x128xf32>, vector<128x128xf32> -> vector<128x128xf32>
    %slice3A_1088 = vector.extract_strided_slice %get3A_1081 {offsets = [0, 64], sizes = [128, 64], strides = [1, 1]} : vector<128x128xf32> to vector<128x64xf32>
    %get3A_1089 = arith.constant 0 : index
    %get3A_1090 = arith.constant 7296 : index
    %get3A_1091 = vector.load %arg3[%get3A_1089, %get3A_1090] : memref<64x8192xf32, #tpu.memory_space<vmem>>, vector<64x128xf32>
    %dot_general3A_1092 = arith.constant dense<0.000000e+00> : vector<128x128xf32>
    %dot_general3A_1093 = tpu.matmul %slice3A_1088, %get3A_1091, %dot_general3A_1092 {dimension_numbers = #tpu.dot_dimension_numbers<[1], [0], [0], [1], [0, 0, 1, 1], [], []>, transpose_lhs_hint = false} : vector<128x64xf32>, vector<64x128xf32>, vector<128x128xf32> -> vector<128x128xf32>
    %add3A_1094 = arith.addf %dot_general3A_1087, %dot_general3A_1093 : vector<128x128xf32>
    %mul3A_1095 = arith.mulf %add3A_1094, %convert_element_type3A_1 : vector<128x128xf32>
    %reduce_sum3A_1096 = arith.constant dense<0.000000e+00> : vector<128xf32>
    %reduce_sum3A_1097 = vector.multi_reduction <add>, %mul3A_1095, %reduce_sum3A_1096 [0] : vector<128x128xf32> to vector<128xf32>
    %get3A_1098 = arith.constant 7424 : index
    %get3A_1099 = arith.constant 0 : index
    %get3A_1100 = vector.load %arg1[%get3A_1098, %get3A_1099] : memref<8192x128xf32, #tpu.memory_space<vmem>>, vector<128x128xf32>
    %slice3A_1101 = vector.extract_strided_slice %get3A_1100 {offsets = [0, 0], sizes = [128, 64], strides = [1, 1]} : vector<128x128xf32> to vector<128x64xf32>
    %get3A_1102 = arith.constant 0 : index
    %get3A_1103 = arith.constant 7424 : index
    %get3A_1104 = vector.load %arg2[%get3A_1102, %get3A_1103] : memref<64x8192xf32, #tpu.memory_space<vmem>>, vector<64x128xf32>
    %dot_general3A_1105 = arith.constant dense<0.000000e+00> : vector<128x128xf32>
    %dot_general3A_1106 = tpu.matmul %slice3A_1101, %get3A_1104, %dot_general3A_1105 {dimension_numbers = #tpu.dot_dimension_numbers<[1], [0], [0], [1], [0, 0, 1, 1], [], []>, transpose_lhs_hint = false} : vector<128x64xf32>, vector<64x128xf32>, vector<128x128xf32> -> vector<128x128xf32>
    %slice3A_1107 = vector.extract_strided_slice %get3A_1100 {offsets = [0, 64], sizes = [128, 64], strides = [1, 1]} : vector<128x128xf32> to vector<128x64xf32>
    %get3A_1108 = arith.constant 0 : index
    %get3A_1109 = arith.constant 7424 : index
    %get3A_1110 = vector.load %arg3[%get3A_1108, %get3A_1109] : memref<64x8192xf32, #tpu.memory_space<vmem>>, vector<64x128xf32>
    %dot_general3A_1111 = arith.constant dense<0.000000e+00> : vector<128x128xf32>
    %dot_general3A_1112 = tpu.matmul %slice3A_1107, %get3A_1110, %dot_general3A_1111 {dimension_numbers = #tpu.dot_dimension_numbers<[1], [0], [0], [1], [0, 0, 1, 1], [], []>, transpose_lhs_hint = false} : vector<128x64xf32>, vector<64x128xf32>, vector<128x128xf32> -> vector<128x128xf32>
    %add3A_1113 = arith.addf %dot_general3A_1106, %dot_general3A_1112 : vector<128x128xf32>
    %mul3A_1114 = arith.mulf %add3A_1113, %convert_element_type3A_1 : vector<128x128xf32>
    %reduce_sum3A_1115 = arith.constant dense<0.000000e+00> : vector<128xf32>
    %reduce_sum3A_1116 = vector.multi_reduction <add>, %mul3A_1114, %reduce_sum3A_1115 [0] : vector<128x128xf32> to vector<128xf32>
    %get3A_1117 = arith.constant 7552 : index
    %get3A_1118 = arith.constant 0 : index
    %get3A_1119 = vector.load %arg1[%get3A_1117, %get3A_1118] : memref<8192x128xf32, #tpu.memory_space<vmem>>, vector<128x128xf32>
    %slice3A_1120 = vector.extract_strided_slice %get3A_1119 {offsets = [0, 0], sizes = [128, 64], strides = [1, 1]} : vector<128x128xf32> to vector<128x64xf32>
    %get3A_1121 = arith.constant 0 : index
    %get3A_1122 = arith.constant 7552 : index
    %get3A_1123 = vector.load %arg2[%get3A_1121, %get3A_1122] : memref<64x8192xf32, #tpu.memory_space<vmem>>, vector<64x128xf32>
    %dot_general3A_1124 = arith.constant dense<0.000000e+00> : vector<128x128xf32>
    %dot_general3A_1125 = tpu.matmul %slice3A_1120, %get3A_1123, %dot_general3A_1124 {dimension_numbers = #tpu.dot_dimension_numbers<[1], [0], [0], [1], [0, 0, 1, 1], [], []>, transpose_lhs_hint = false} : vector<128x64xf32>, vector<64x128xf32>, vector<128x128xf32> -> vector<128x128xf32>
    %slice3A_1126 = vector.extract_strided_slice %get3A_1119 {offsets = [0, 64], sizes = [128, 64], strides = [1, 1]} : vector<128x128xf32> to vector<128x64xf32>
    %get3A_1127 = arith.constant 0 : index
    %get3A_1128 = arith.constant 7552 : index
    %get3A_1129 = vector.load %arg3[%get3A_1127, %get3A_1128] : memref<64x8192xf32, #tpu.memory_space<vmem>>, vector<64x128xf32>
    %dot_general3A_1130 = arith.constant dense<0.000000e+00> : vector<128x128xf32>
    %dot_general3A_1131 = tpu.matmul %slice3A_1126, %get3A_1129, %dot_general3A_1130 {dimension_numbers = #tpu.dot_dimension_numbers<[1], [0], [0], [1], [0, 0, 1, 1], [], []>, transpose_lhs_hint = false} : vector<128x64xf32>, vector<64x128xf32>, vector<128x128xf32> -> vector<128x128xf32>
    %add3A_1132 = arith.addf %dot_general3A_1125, %dot_general3A_1131 : vector<128x128xf32>
    %mul3A_1133 = arith.mulf %add3A_1132, %convert_element_type3A_1 : vector<128x128xf32>
    %reduce_sum3A_1134 = arith.constant dense<0.000000e+00> : vector<128xf32>
    %reduce_sum3A_1135 = vector.multi_reduction <add>, %mul3A_1133, %reduce_sum3A_1134 [0] : vector<128x128xf32> to vector<128xf32>
    %get3A_1136 = arith.constant 7680 : index
    %get3A_1137 = arith.constant 0 : index
    %get3A_1138 = vector.load %arg1[%get3A_1136, %get3A_1137] : memref<8192x128xf32, #tpu.memory_space<vmem>>, vector<128x128xf32>
    %slice3A_1139 = vector.extract_strided_slice %get3A_1138 {offsets = [0, 0], sizes = [128, 64], strides = [1, 1]} : vector<128x128xf32> to vector<128x64xf32>
    %get3A_1140 = arith.constant 0 : index
    %get3A_1141 = arith.constant 7680 : index
    %get3A_1142 = vector.load %arg2[%get3A_1140, %get3A_1141] : memref<64x8192xf32, #tpu.memory_space<vmem>>, vector<64x128xf32>
    %dot_general3A_1143 = arith.constant dense<0.000000e+00> : vector<128x128xf32>
    %dot_general3A_1144 = tpu.matmul %slice3A_1139, %get3A_1142, %dot_general3A_1143 {dimension_numbers = #tpu.dot_dimension_numbers<[1], [0], [0], [1], [0, 0, 1, 1], [], []>, transpose_lhs_hint = false} : vector<128x64xf32>, vector<64x128xf32>, vector<128x128xf32> -> vector<128x128xf32>
    %slice3A_1145 = vector.extract_strided_slice %get3A_1138 {offsets = [0, 64], sizes = [128, 64], strides = [1, 1]} : vector<128x128xf32> to vector<128x64xf32>
    %get3A_1146 = arith.constant 0 : index
    %get3A_1147 = arith.constant 7680 : index
    %get3A_1148 = vector.load %arg3[%get3A_1146, %get3A_1147] : memref<64x8192xf32, #tpu.memory_space<vmem>>, vector<64x128xf32>
    %dot_general3A_1149 = arith.constant dense<0.000000e+00> : vector<128x128xf32>
    %dot_general3A_1150 = tpu.matmul %slice3A_1145, %get3A_1148, %dot_general3A_1149 {dimension_numbers = #tpu.dot_dimension_numbers<[1], [0], [0], [1], [0, 0, 1, 1], [], []>, transpose_lhs_hint = false} : vector<128x64xf32>, vector<64x128xf32>, vector<128x128xf32> -> vector<128x128xf32>
    %add3A_1151 = arith.addf %dot_general3A_1144, %dot_general3A_1150 : vector<128x128xf32>
    %mul3A_1152 = arith.mulf %add3A_1151, %convert_element_type3A_1 : vector<128x128xf32>
    %reduce_sum3A_1153 = arith.constant dense<0.000000e+00> : vector<128xf32>
    %reduce_sum3A_1154 = vector.multi_reduction <add>, %mul3A_1152, %reduce_sum3A_1153 [0] : vector<128x128xf32> to vector<128xf32>
    %get3A_1155 = arith.constant 7808 : index
    %get3A_1156 = arith.constant 0 : index
    %get3A_1157 = vector.load %arg1[%get3A_1155, %get3A_1156] : memref<8192x128xf32, #tpu.memory_space<vmem>>, vector<128x128xf32>
    %slice3A_1158 = vector.extract_strided_slice %get3A_1157 {offsets = [0, 0], sizes = [128, 64], strides = [1, 1]} : vector<128x128xf32> to vector<128x64xf32>
    %get3A_1159 = arith.constant 0 : index
    %get3A_1160 = arith.constant 7808 : index
    %get3A_1161 = vector.load %arg2[%get3A_1159, %get3A_1160] : memref<64x8192xf32, #tpu.memory_space<vmem>>, vector<64x128xf32>
    %dot_general3A_1162 = arith.constant dense<0.000000e+00> : vector<128x128xf32>
    %dot_general3A_1163 = tpu.matmul %slice3A_1158, %get3A_1161, %dot_general3A_1162 {dimension_numbers = #tpu.dot_dimension_numbers<[1], [0], [0], [1], [0, 0, 1, 1], [], []>, transpose_lhs_hint = false} : vector<128x64xf32>, vector<64x128xf32>, vector<128x128xf32> -> vector<128x128xf32>
    %slice3A_1164 = vector.extract_strided_slice %get3A_1157 {offsets = [0, 64], sizes = [128, 64], strides = [1, 1]} : vector<128x128xf32> to vector<128x64xf32>
    %get3A_1165 = arith.constant 0 : index
    %get3A_1166 = arith.constant 7808 : index
    %get3A_1167 = vector.load %arg3[%get3A_1165, %get3A_1166] : memref<64x8192xf32, #tpu.memory_space<vmem>>, vector<64x128xf32>
    %dot_general3A_1168 = arith.constant dense<0.000000e+00> : vector<128x128xf32>
    %dot_general3A_1169 = tpu.matmul %slice3A_1164, %get3A_1167, %dot_general3A_1168 {dimension_numbers = #tpu.dot_dimension_numbers<[1], [0], [0], [1], [0, 0, 1, 1], [], []>, transpose_lhs_hint = false} : vector<128x64xf32>, vector<64x128xf32>, vector<128x128xf32> -> vector<128x128xf32>
    %add3A_1170 = arith.addf %dot_general3A_1163, %dot_general3A_1169 : vector<128x128xf32>
    %mul3A_1171 = arith.mulf %add3A_1170, %convert_element_type3A_1 : vector<128x128xf32>
    %reduce_sum3A_1172 = arith.constant dense<0.000000e+00> : vector<128xf32>
    %reduce_sum3A_1173 = vector.multi_reduction <add>, %mul3A_1171, %reduce_sum3A_1172 [0] : vector<128x128xf32> to vector<128xf32>
    %get3A_1174 = arith.constant 7936 : index
    %get3A_1175 = arith.constant 0 : index
    %get3A_1176 = vector.load %arg1[%get3A_1174, %get3A_1175] : memref<8192x128xf32, #tpu.memory_space<vmem>>, vector<128x128xf32>
    %slice3A_1177 = vector.extract_strided_slice %get3A_1176 {offsets = [0, 0], sizes = [128, 64], strides = [1, 1]} : vector<128x128xf32> to vector<128x64xf32>
    %get3A_1178 = arith.constant 0 : index
    %get3A_1179 = arith.constant 7936 : index
    %get3A_1180 = vector.load %arg2[%get3A_1178, %get3A_1179] : memref<64x8192xf32, #tpu.memory_space<vmem>>, vector<64x128xf32>
    %dot_general3A_1181 = arith.constant dense<0.000000e+00> : vector<128x128xf32>
    %dot_general3A_1182 = tpu.matmul %slice3A_1177, %get3A_1180, %dot_general3A_1181 {dimension_numbers = #tpu.dot_dimension_numbers<[1], [0], [0], [1], [0, 0, 1, 1], [], []>, transpose_lhs_hint = false} : vector<128x64xf32>, vector<64x128xf32>, vector<128x128xf32> -> vector<128x128xf32>
    %slice3A_1183 = vector.extract_strided_slice %get3A_1176 {offsets = [0, 64], sizes = [128, 64], strides = [1, 1]} : vector<128x128xf32> to vector<128x64xf32>
    %get3A_1184 = arith.constant 0 : index
    %get3A_1185 = arith.constant 7936 : index
    %get3A_1186 = vector.load %arg3[%get3A_1184, %get3A_1185] : memref<64x8192xf32, #tpu.memory_space<vmem>>, vector<64x128xf32>
    %dot_general3A_1187 = arith.constant dense<0.000000e+00> : vector<128x128xf32>
    %dot_general3A_1188 = tpu.matmul %slice3A_1183, %get3A_1186, %dot_general3A_1187 {dimension_numbers = #tpu.dot_dimension_numbers<[1], [0], [0], [1], [0, 0, 1, 1], [], []>, transpose_lhs_hint = false} : vector<128x64xf32>, vector<64x128xf32>, vector<128x128xf32> -> vector<128x128xf32>
    %add3A_1189 = arith.addf %dot_general3A_1182, %dot_general3A_1188 : vector<128x128xf32>
    %mul3A_1190 = arith.mulf %add3A_1189, %convert_element_type3A_1 : vector<128x128xf32>
    %reduce_sum3A_1191 = arith.constant dense<0.000000e+00> : vector<128xf32>
    %reduce_sum3A_1192 = vector.multi_reduction <add>, %mul3A_1190, %reduce_sum3A_1191 [0] : vector<128x128xf32> to vector<128xf32>
    %get3A_1193 = arith.constant 8064 : index
    %get3A_1194 = arith.constant 0 : index
    %get3A_1195 = vector.load %arg1[%get3A_1193, %get3A_1194] : memref<8192x128xf32, #tpu.memory_space<vmem>>, vector<128x128xf32>
    %slice3A_1196 = vector.extract_strided_slice %get3A_1195 {offsets = [0, 0], sizes = [128, 64], strides = [1, 1]} : vector<128x128xf32> to vector<128x64xf32>
    %get3A_1197 = arith.constant 0 : index
    %get3A_1198 = arith.constant 8064 : index
    %get3A_1199 = vector.load %arg2[%get3A_1197, %get3A_1198] : memref<64x8192xf32, #tpu.memory_space<vmem>>, vector<64x128xf32>
    %dot_general3A_1200 = arith.constant dense<0.000000e+00> : vector<128x128xf32>
    %dot_general3A_1201 = tpu.matmul %slice3A_1196, %get3A_1199, %dot_general3A_1200 {dimension_numbers = #tpu.dot_dimension_numbers<[1], [0], [0], [1], [0, 0, 1, 1], [], []>, transpose_lhs_hint = false} : vector<128x64xf32>, vector<64x128xf32>, vector<128x128xf32> -> vector<128x128xf32>
    %slice3A_1202 = vector.extract_strided_slice %get3A_1195 {offsets = [0, 64], sizes = [128, 64], strides = [1, 1]} : vector<128x128xf32> to vector<128x64xf32>
    %get3A_1203 = arith.constant 0 : index
    %get3A_1204 = arith.constant 8064 : index
    %get3A_1205 = vector.load %arg3[%get3A_1203, %get3A_1204] : memref<64x8192xf32, #tpu.memory_space<vmem>>, vector<64x128xf32>
    %dot_general3A_1206 = arith.constant dense<0.000000e+00> : vector<128x128xf32>
    %dot_general3A_1207 = tpu.matmul %slice3A_1202, %get3A_1205, %dot_general3A_1206 {dimension_numbers = #tpu.dot_dimension_numbers<[1], [0], [0], [1], [0, 0, 1, 1], [], []>, transpose_lhs_hint = false} : vector<128x64xf32>, vector<64x128xf32>, vector<128x128xf32> -> vector<128x128xf32>
    %add3A_1208 = arith.addf %dot_general3A_1201, %dot_general3A_1207 : vector<128x128xf32>
    %mul3A_1209 = arith.mulf %add3A_1208, %convert_element_type3A_1 : vector<128x128xf32>
    %reduce_sum3A_1210 = arith.constant dense<0.000000e+00> : vector<128xf32>
    %reduce_sum3A_1211 = vector.multi_reduction <add>, %mul3A_1209, %reduce_sum3A_1210 [0] : vector<128x128xf32> to vector<128xf32>
    %concatenate3A = tpu.concatenate %reduce_sum3A_14, %reduce_sum3A_33, %reduce_sum3A_52, %reduce_sum3A_71, %reduce_sum3A_90, %reduce_sum3A_109, %reduce_sum3A_128, %reduce_sum3A_147, %reduce_sum3A_166, %reduce_sum3A_185, %reduce_sum3A_204, %reduce_sum3A_223, %reduce_sum3A_242, %reduce_sum3A_261, %reduce_sum3A_280, %reduce_sum3A_299, %reduce_sum3A_318, %reduce_sum3A_337, %reduce_sum3A_356, %reduce_sum3A_375, %reduce_sum3A_394, %reduce_sum3A_413, %reduce_sum3A_432, %reduce_sum3A_451, %reduce_sum3A_470, %reduce_sum3A_489, %reduce_sum3A_508, %reduce_sum3A_527, %reduce_sum3A_546, %reduce_sum3A_565, %reduce_sum3A_584, %reduce_sum3A_603, %reduce_sum3A_622, %reduce_sum3A_641, %reduce_sum3A_660, %reduce_sum3A_679, %reduce_sum3A_698, %reduce_sum3A_717, %reduce_sum3A_736, %reduce_sum3A_755, %reduce_sum3A_774, %reduce_sum3A_793, %reduce_sum3A_812, %reduce_sum3A_831, %reduce_sum3A_850, %reduce_sum3A_869, %reduce_sum3A_888, %reduce_sum3A_907, %reduce_sum3A_926, %reduce_sum3A_945, %reduce_sum3A_964, %reduce_sum3A_983, %reduce_sum3A_1002, %reduce_sum3A_1021, %reduce_sum3A_1040, %reduce_sum3A_1059, %reduce_sum3A_1078, %reduce_sum3A_1097, %reduce_sum3A_1116, %reduce_sum3A_1135, %reduce_sum3A_1154, %reduce_sum3A_1173, %reduce_sum3A_1192, %reduce_sum3A_1211 in 0 : vector<128xf32>, vector<128xf32>, vector<128xf32>, vector<128xf32>, vector<128xf32>, vector<128xf32>, vector<128xf32>, vector<128xf32>, vector<128xf32>, vector<128xf32>, vector<128xf32>, vector<128xf32>, vector<128xf32>, vector<128xf32>, vector<128xf32>, vector<128xf32>, vector<128xf32>, vector<128xf32>, vector<128xf32>, vector<128xf32>, vector<128xf32>, vector<128xf32>, vector<128xf32>, vector<128xf32>, vector<128xf32>, vector<128xf32>, vector<128xf32>, vector<128xf32>, vector<128xf32>, vector<128xf32>, vector<128xf32>, vector<128xf32>, vector<128xf32>, vector<128xf32>, vector<128xf32>, vector<128xf32>, vector<128xf32>, vector<128xf32>, vector<128xf32>, vector<128xf32>, vector<128xf32>, vector<128xf32>, vector<128xf32>, vector<128xf32>, vector<128xf32>, vector<128xf32>, vector<128xf32>, vector<128xf32>, vector<128xf32>, vector<128xf32>, vector<128xf32>, vector<128xf32>, vector<128xf32>, vector<128xf32>, vector<128xf32>, vector<128xf32>, vector<128xf32>, vector<128xf32>, vector<128xf32>, vector<128xf32>, vector<128xf32>, vector<128xf32>, vector<128xf32>, vector<128xf32> -> vector<8192xf32>
    %neg3A = arith.constant 0.000000e+00 : f32
    %neg3A_1212 = vector.broadcast %neg3A : f32 to vector<8192xf32>
    %neg3A_1213 = arith.subf %neg3A_1212, %concatenate3A : vector<8192xf32>
    %exp3A = math.exp %neg3A_1213 : vector<8192xf32>
    %add3A_1214 = arith.constant 1.000000e+00 : f32
    %add3A_1215 = vector.broadcast %add3A_1214 : f32 to vector<8192xf32>
    %add3A_1216 = arith.addf %add3A_1215, %exp3A : vector<8192xf32>
    %div3A = arith.constant 1.000000e+00 : f32
    %div3A_1217 = vector.broadcast %div3A : f32 to vector<8192xf32>
    %div3A_1218 = arith.divf %div3A_1217, %add3A_1216 : vector<8192xf32>
    %swap3A = arith.constant 0 : index
    %swap3A_1219 = vector.load %arg4[%swap3A] : memref<8192xf32, #tpu.memory_space<vmem>>, vector<8192xf32>
    tpu.vector_store %arg4[%swap3A], %div3A_1218 {strides = array<i32>} : memref<8192xf32, #tpu.memory_space<vmem>>, vector<8192xf32>,
    return
  }
  func.func @transform_0(%arg0: i32) -> (i32, i32) {
    %c0_i32 = arith.constant 0 : i32
    %c0_i32_0 = arith.constant 0 : i32
    return %arg0, %c0_i32 : i32, i32
  }
  func.func @transform_1(%arg0: i32) -> (i32, i32) {
    %c0_i32 = arith.constant 0 : i32
    %c0_i32_0 = arith.constant 0 : i32
    return %c0_i32, %arg0 : i32, i32
  }
  func.func @transform_2(%arg0: i32) -> (i32, i32) {
    %c0_i32 = arith.constant 0 : i32
    %c0_i32_0 = arith.constant 0 : i32
    return %c0_i32, %arg0 : i32, i32
  }
  func.func @transform_3(%arg0: i32) -> i32 {
    %c0_i32 = arith.constant 0 : i32
    return %arg0 : i32
  }
}

</mosaic_0001>

<sc_bundles>
// kernel: _run.4.cloned.1.call-start
scs
__scs_entry_jumppad:
0x0: {  	(pc) =	sbr.rel $0x88, $3  }
0x1: {  	(tag) =	ssettag $0x0;
	lr =	simm.s32 $0x1  }
0x2: {  	[smem:$0x3F9D] =	sst lr;
	_ =	strace $0xD0000000  }
0x3: {  	_ = 	snop  }
0x4: {  	_ = 	snop  }
0x5: {  	_ = 	snop  }
0x6: {  	_ = 	snop  }
0x7: {  	_ = 	snop  }
__scs_overlays_trampoline_lowered:
0x8: {  	[smem:$0x3FAC] =	sst s0  }
0x9: {  	[smem:$0x3FAD] =	sst s1  }
0xa: {  	[smem:$0x3FAE] =	sst s2  }
0xb: {  	[smem:$0x3FAF] =	sst s3  }
0xc: {  	[smem:$0x3FB0] =	sst s4  }
0xd: {  	[smem:$0x3FB1] =	sst s5  }
0xe: {  	[smem:$0x3FB2] =	sst s6  }
0xf: {  	[smem:$0x3FB3] =	sst s7  }
0x10: {  	[smem:$0x3FB4] =	sst s8  }
0x11: {  	[smem:$0x3FB5] =	sst s9;
	s0 =	simm.s32 @!p0 $0x0  }
0x12: {  	s1 =	sld [smem:$0x3F9B];
	s0 =	simm.s32 @p0 $0x1  }
0x13: {  	[smem:$0x3FB6] =	sst s0;
	s0 =	simm.s32 @!p1 $0x0  }
0x14: {  	s2 =	sld [smem:$0x3F9A];
	s0 =	simm.s32 @p1 $0x1  }
0x15: {  	[smem:$0x3FB7] =	sst s0;
	s0 =	simm.s32 @!p2 $0x0  }
0x16: {  	s3 =	sld [smem:$0x3FDB];
	s0 =	simm.s32 @p2 $0x1  }
0x17: {  	s4 =	simm.s32 $0x1BF5;
	[smem:$0x3FB9] =	sst s0  }
0x18: {  	s0 =	sld [smem:$0x3F9C];
	_ =	swait.ge [sflag:s4], $0x0  }
0x19: {  	s7 =	sld [smem:$0x3F9D]  }
0x1a: {  	s8 =	sadd.s32 $0xFFFFE003, lr  }
0x1b: {  	s9 =	sadd.s32 $0xFFFFFEF7, lr;
	s5 =	simm.s32 $0xFFFFFFFF;
	p2 =	slt.u32 s8, $0xFFFFF086  }
0x1c: {  	p1 =	slt.u32 s9, $0xF7A;
	s5 =	simm.s32 @!p2 $0x0  }
0x1d: {  	s5 =	simm.s32 @p1 $0x1;
	p0 =	seq.s32 s7, s2  }
0x1e: {  	s7 =	smul.u32 @!p0 $0xF7A, s2;
	p2 =	seq.s32 @!p0 s5, $0x0  }
0x1f: {  	s9 =	smul.u32 $0xF7A, s1;
	s8 =	simm.s32 @!p0 $0x1BF5;
	p2 =	por !p2, p0  }
0x20: {  	[sflag:s8] =	ssyncset.s32 @!p0 $0xFFFFF086;
	s6 =	sadd.s32 @!p0 s3, s7;
	s7 =	simm.s32 @!p0 $0x108  }
0x21: {  	s3 =	sadd.s32 s3, s9;
	s6 =	sadd.s32 @!p0 $0x88, s6;
	s7 =	simm.s32 @p2 $0x1082  }
0x22: {  	[simem:s7], [sflag:s8] =	dma.local @!p0 [hbm:s6], $0xF7A  }
0x23: {  	s9 =	sor.u32 $0xD0000000, s2;
	s6 =	simm.s32 $0x108;
	_ =	swait.ge @!p0 [sflag:s8], $0x0  }
0x24: {  	s3 =	sadd.s32 $0x88, s3;
	s6 =	simm.s32 @!p1 $0x1082;
	[sflag:s4] =	ssyncset.s32 $0xFFFFF086  }
0x25: {  	[simem:s6], [sflag:s4] =	dma.local [hbm:s3], $0xF7A  }
0x26: {  	[smem:$0x3F9D] =	sst s1;
	(tag) =	ssettag s2;
	_ =	strace s9  }
0x27: {  	s1 =	sld [smem:$0x3FAD]  }
0x28: {  	s2 =	sld [smem:$0x3FAE]  }
0x29: {  	s4 =	sld [smem:$0x3FB0]  }
0x2a: {  	p0 =	seq.s32 s5, $0x0;
	s5 =	sld [smem:$0x3FB1]  }
0x2b: {  	s6 =	sld [smem:$0x3FB2]  }
0x2c: {  	s7 =	sld [smem:$0x3FB3]  }
0x2d: {  	s3 =	simm.s32 $0x108;
	s8 =	sld [smem:$0x3FB4]  }
0x2e: {  	s3 =	simm.s32 @!p0 $0x1082;
	s9 =	sld [smem:$0x3FB5]  }
0x2f: {  	lr =	sadd.s32 s0, s3;
	s0 =	sld [smem:$0x3FAC]  }
0x30: {  	s3 =	sld [smem:$0x3FAF]  }
0x31: {  	[smem:$0x3FB8] =	sst s10  }
0x32: {  	s10 =	sld [smem:$0x3FB6];
	_ =	sdelay $0x3  }
0x33: {  	p0 =	seq.s32 s10, $0x1;
	s10 =	sld [smem:$0x3FB8];
	_ =	sdelay $0x3  }
0x34: {  	[smem:$0x3FB8] =	sst s10  }
0x35: {  	s10 =	sld [smem:$0x3FB7];
	_ =	sdelay $0x3  }
0x36: {  	p1 =	seq.s32 s10, $0x1;
	s10 =	sld [smem:$0x3FB8];
	_ =	sdelay $0x3  }
0x37: {  	[smem:$0x3FB8] =	sst s10  }
0x38: {  	s10 =	sld [smem:$0x3FB9]  }
0x39: {  	_ = 	snop;
	(pc) =	sbr.ind lr, $3  }
0x3a: {  	_ = 	snop  }
0x3b: {  	_ = 	snop  }
0x3c: {  	p2 =	seq.s32 s10, $0x1;
	s10 =	sld [smem:$0x3FB8]  }
0x3d: {  	_ =	shalt  }
0x3e: {  	_ =	shalt  }
0x3f: {  	_ =	shalt  }
0x40: {  	_ =	shalt  }
0x41: {  	_ =	shalt  }
0x42: {  	_ =	shalt  }
0x43: {  	_ =	shalt  }
0x44: {  	_ =	shalt  }
0x45: {  	_ =	shalt  }
0x46: {  	_ =	shalt  }
0x47: {  	_ =	shalt  }
0x48: {  	_ =	shalt  }
0x49: {  	_ =	shalt  }
0x4a: {  	_ =	shalt  }
0x4b: {  	_ =	shalt  }
0x4c: {  	_ =	shalt  }
0x4d: {  	_ =	shalt  }
0x4e: {  	_ =	shalt  }
0x4f: {  	_ =	shalt  }
0x50: {  	_ =	shalt  }
0x51: {  	_ =	shalt  }
0x52: {  	_ =	shalt  }
0x53: {  	_ =	shalt  }
0x54: {  	_ =	shalt  }
0x55: {  	_ =	shalt  }
0x56: {  	_ =	shalt  }
0x57: {  	_ =	shalt  }
0x58: {  	_ =	shalt  }
0x59: {  	_ =	shalt  }
0x5a: {  	_ =	shalt  }
0x5b: {  	_ =	shalt  }
0x5c: {  	_ =	shalt  }
0x5d: {  	_ =	shalt  }
0x5e: {  	_ =	shalt  }
0x5f: {  	_ =	shalt  }
0x60: {  	_ =	shalt  }
0x61: {  	_ =	shalt  }
0x62: {  	_ =	shalt  }
0x63: {  	_ =	shalt  }
0x64: {  	_ =	shalt  }
0x65: {  	_ =	shalt  }
0x66: {  	_ =	shalt  }
0x67: {  	_ =	shalt  }
0x68: {  	_ =	shalt  }
0x69: {  	_ =	shalt  }
0x6a: {  	_ =	shalt  }
0x6b: {  	_ =	shalt  }
0x6c: {  	_ =	shalt  }
0x6d: {  	_ =	shalt  }
0x6e: {  	_ =	shalt  }
0x6f: {  	_ =	shalt  }
0x70: {  	_ =	shalt  }
0x71: {  	_ =	shalt  }
0x72: {  	_ =	shalt  }
0x73: {  	_ =	shalt  }
0x74: {  	_ =	shalt  }
0x75: {  	_ =	shalt  }
0x76: {  	_ =	shalt  }
0x77: {  	_ =	shalt  }
0x78: {  	_ =	shalt  }
0x79: {  	_ =	shalt  }
0x7a: {  	_ =	shalt  }
0x7b: {  	_ =	shalt  }
0x7c: {  	_ =	shalt  }
0x7d: {  	_ =	shalt  }
0x7e: {  	_ =	shalt  }
0x7f: {  	_ =	shalt  }
0x80: {  	_ =	shalt  }
0x81: {  	_ =	shalt  }
0x82: {  	_ =	shalt  }
0x83: {  	_ =	shalt  }
0x84: {  	_ =	shalt  }
0x85: {  	_ =	shalt  }
0x86: {  	_ =	shalt  }
0x87: {  	_ =	shalt  }
.Lfunc_end0:
.L_simem_size_0:
called_computation_lowered:
.L_overlay_start_0:
0x88: {  	s2 =	sld [smem:$0x3FD9]  }
0x89: {  	s3 =	sld [smem:$0x3FFE];
	_ =	sdelay $0x1  }
0x8a: {  	s1 =	srdreg.scid  }
0x8b: {  	s0 =	sand.u32 $0x1, s1  }
0x8c: {  	s17 =	sshll.u32 s0, $0xA;
	s2 =	sadd.s32 s3, s2  }
0x8d: {  	s2 =	sadd.s32 s2, s17  }
0x8e: {  	[smem:$0x3FC4] =	sst s2  }
0x8f: {  	_ = 	snop  }
0x90: {  	s2 =	sld [smem:$0x3FC9]  }
0x91: {  	s18 =	sld [smem:$0x3FC8];
	(tm) =	ssettm $0x1  }
0x92: {  	s4 =	sld [smem:$0x3FFB];
	_ =	sdelay $0x3  }
0x93: {  	_ =	strace s4  }
0x94: {  	s4 =	sld [smem:$0x3FFC];
	_ =	sdelay $0x3  }
0x95: {  	_ =	strace s4  }
0x96: {  	s4 =	sld [smem:$0x3FFD];
	_ =	sdelay $0x3  }
0x97: {  	_ =	strace s4  }
0x98: {  	_ =	strace $0x8FFFFFFF  }
0x99: {  	s19 =	sld [smem:$0x3FDB];
	_ =	sdelay $0x1  }
0x9a: {  	s5 =	simm.s32 $_scs_section_size  }
0x9b: {  	s6 =	simm.s32 $_size__tile_overlayer_lowered;
	s7 =	simm.s32 $_tile_overlayer_lowered  }
0x9c: {  	s22 =	simm.s32 $0x1BFF;
	s21 =	sshll.u32 s7, $0x1;
	s4 =	sadd.s32 s5, s19  }
0x9d: {  	s8 =	simm.s32 $0x0;
	s20 =	sshll.u32 s6, $0x1;
	s6 =	sadd.s32 s21, s4  }
0x9e: {  	[timem:s8], [sflag:s22] =	dma.local [hbm:s6], s20  }
0x9f: {  	_ =	swait.ge [sflag:s22], s20  }
0xa0: {  	s5 =	ssub.s32 $0x0, s20;
	[sflag:s22] =	ssyncset.done $0x0  }
0xa1: {  	[sflag:s22] =	ssyncadd.s32 s5;
	_ =	sdelay $0x1  }
0xa2: {  	s23 =	simm.s32 $0x1B8B  }
0xa3: {  	_ =	swait.ge [sflag:s23], $0x1  }
0xa4: {  	[sflag:s23] =	ssyncset.done $0x0  }
0xa5: {  	s25 =	simm.s32 $0x1B8E;
	s24 =	sld [smem:$0x3FFE];
	[sflag:s23] =	ssyncadd.s32 $0xFFFFFFFF  }
0xa6: {  	s26 =	simm.s32 $execute0_lowered;
	[smem:$0x3FD2] =	sst s25  }
0xa7: {  	s6 =	sshll.u32 s26, $0x1;
	_ =	strace $0x80000046;
	[dreg:$0x1] =	wrdreg $0xFFFFFFFF  }
0xa8: {  	s28 =	simm.s32 $_size_execute0_lowered;
	s4 =	sadd.s32 s4, s6;
	[dreg:$0x0] =	wrdreg $0x0  }
0xa9: {  	s6 =	sshll.u32 s28, $0x1;
	[dreg:$0x2] =	wrdreg s4  }
0xaa: {  	[dreg:$0x3] =	wrdreg s6  }
0xab: {  	[dreg:$0x4] =	wrdreg $0xC0  }
0xac: {  	_ =	task [dreg:s8], $0x5FFFF  }
0xad: {  	[dreg:$0x1] =	wrdreg $0xFFFFFFFF  }
0xae: {  	[dreg:$0x0] =	wrdreg $0x60  }
0xaf: {  	[dreg:$0x2] =	wrdreg s2  }
0xb0: {  	[dreg:$0x3] =	wrdreg s18  }
0xb1: {  	[dreg:$0x4] =	wrdreg s24  }
0xb2: {  	[dreg:$0x5] =	wrdreg $0x9  }
0xb3: {  	_ =	task.clear_ibuf [dreg:s8], $0x6FFFF;
	_ =	strace $0x90000046  }
0xb4: {  	s29 =	simm.s32 $0x9;
	_ =	strace $0x80000048  }
0xb5: {  	_ =	swait.ge [sflag:s29], $0x1  }
0xb6: {  	[sflag:s29] =	ssyncadd.s32 $0xFFFFFFFF  }
0xb7: {  	_ =	strace $0x90000048  }
0xb8: {  	_ =	sfence  }
0xb9: {  	s30 =	sld [smem:$0x0];
	_ =	sdelay $0x2  }
0xba: {  	s31 =	sshll.u32 s1, $0xD;
	s1 =	sshrl.u32 s1, $0x2  }
0xbb: {  	s3 =	sand.u32 $0x4000, s31;
	s1 =	sadd.s32 s1, s30  }
0xbc: {  	s0 =	sor.u32 s3, s0;
	s1 =	sshll.u32 s1, $0x11  }
0xbd: {  	s0 =	sor.u32 s1, s0  }
0xbe: {  	s0 =	sadd.s32 $0x8F2B, s0  }
0xbf: {  	[sflag:s0] =	ssyncadd.remote.s32 $0x1  }
0xc0: {  	_ =	sfence.sel $0xFFFF  }
0xc1: {  	[dreg:$0x0] =	wrdreg $0xFFFFFFFF;
	(pc) =	sbr.abs _section_cstart, $3  }
0xc2: {  	[dreg:$0x1] =	wrdreg $0xFFFFFFFF  }
0xc3: {  	_ =	task.clear_ibuf [dreg:s8], $0x2FFFF;
	_ =	strace $0x9FFFFFFF  }
0xc4: {  	(tm) =	ssettm $0x7FFFFFFF  }
0xc5: {  	_ =	shalt  }
tec
execute0_lowered:
.L_overlay_start_1:
0x0: {  	(tag) =	ssettag $0x1  }
0x1: {  	s1 =	rddreg [dreg:$0x0];
	s2 =	srdreg.scid  }
0x2: {  	s9 =	rddreg [dreg:$0x1];
	s0 =	stileid.u32  }
0x3: {  	s14 =	rddreg [dreg:$0x2];
	s3 =	simm.s32 $0x0;
	s21 =	sand.u32 $0x1, s2  }
0x4: {  	s4 =	sshll.u32 s0, $0xA;
	s2 =	rddreg [dreg:$0x3];
	s5 =	sshll.u32 s21, $0x9  }
0x5: {  	s6 =	simm.s32 $0x80;
	[smem:$0x7FF] =	sst s3;
	s15 =	sor.u32 s5, s4  }
0x6: {  	_ =	strace $0x80000047;
	s17 =	sor.u32 $0x80, s15;
	s4 =	sshrl.u32 s15, $0x3  }
0x7: {  	s19 =	sor.u32 $0x100, s15;
	s29 =	sshrl.u32 s17, $0x3;
	s4 =	sadd.s32 s9, s4  }
0x8: {  	[tilespmem:s3], [sflag:$0x1] =	stream.linear.gather [hbm4b:s4+s3], $0x80, $0x38;
	[tilespmem:$0x8200] =	vst v63  }
0x9: {  	s22 =	sor.u32 $0x180, s15;
	s7 =	sshrl.u32 s19, $0x3;
	s5 =	sadd.s32 s9, s29  }
0xa: {  	[tilespmem:s6], [sflag:$0x1] =	stream.linear.gather [hbm4b:s5+s3], $0x80, $0x38;
	[tilespmem:$0x8200] =	vst v63  }
0xb: {  	s8 =	simm.s32 $0x100;
	s10 =	sshrl.u32 s22, $0x3;
	s7 =	sadd.s32 s9, s7  }
0xc: {  	[tilespmem:s8], [sflag:$0x1] =	stream.linear.gather [hbm4b:s7+s3], $0x80, $0x38;
	[tilespmem:$0x8200] =	vst v63  }
0xd: {  	s11 =	simm.s32 $0x1;
	s9 =	sadd.s32 s9, s10;
	s10 =	simm.s32 $0x180  }
0xe: {  	[tilespmem:s10], [sflag:$0x1] =	stream.linear.gather [hbm4b:s9+s3], $0x80, $0x38;
	[tilespmem:$0x8200] =	vst v63  }
0xf: {  	_ =	swait.ge [sflag:s11], $0x80  }
0x10: {  	[sflag:s11] =	ssyncset.done $0x0  }
0x11: {  	[sflag:s11] =	ssyncadd.s32 $0xFFFFFF80  }
0x12: {  	_ =	swait.ge [sflag:s11], $0x80  }
0x13: {  	[sflag:s11] =	ssyncset.done $0x0  }
0x14: {  	[sflag:s11] =	ssyncadd.s32 $0xFFFFFF80  }
0x15: {  	_ =	swait.ge [sflag:s11], $0x80  }
0x16: {  	[sflag:s11] =	ssyncset.done $0x0  }
0x17: {  	[sflag:s11] =	ssyncadd.s32 $0xFFFFFF80  }
0x18: {  	_ =	swait.ge [sflag:s11], $0x80  }
0x19: {  	[sflag:s11] =	ssyncset.done $0x0  }
0x1a: {  	s12 =	simm.s32 $0x200;
	s13 =	simm.s32 $0x2;
	[sflag:s11] =	ssyncadd.s32 $0xFFFFFF80  }
0x1b: {  	[tilespmem:s12], [sflag:$0x2] =	stream.indirect.gather [hbm4b:s1+s6], $0x80, s3, s6, $0xb8;
	[tilespmem:$0x8200] =	vst v63  }
0x1c: {  	_ =	swait.ge [sflag:s13], $0x4000  }
0x1d: {  	s23 =	sadd.s32 $0xA00, s14;
	s30 =	sshll.u32 s15, $0x4;
	[sflag:s13] =	ssyncset.done $0x0  }
0x1e: {  	s14 =	sadd.s32 s23, s30;
	[sflag:s13] =	ssyncadd.s32 $0xFFFFC000  }
0x1f: {  	[hbm4b:s14+s3] =	stream.linear.scatter [tilespmem:s12], [sflag:$0x4], $0x4000, $0x38;
	[tilespmem:$0x8200] =	vst v63  }
0x20: {  	s16 =	simm.s32 $0x3;
	s15 =	simm.s32 $0x4200  }
0x21: {  	[tilespmem:s15], [sflag:$0x3] =	stream.indirect.gather [hbm4b:s1+s6], $0x80, s6, s6, $0xb8;
	[tilespmem:$0x8200] =	vst v63  }
0x22: {  	_ =	swait.ge [sflag:s16], $0x4000  }
0x23: {  	s17 =	sshll.u32 s17, $0x4;
	[sflag:s16] =	ssyncset.done $0x0  }
0x24: {  	s18 =	simm.s32 $0x4;
	s17 =	sadd.s32 s23, s17;
	[sflag:s16] =	ssyncadd.s32 $0xFFFFC000  }
0x25: {  	[hbm4b:s17+s3] =	stream.linear.scatter [tilespmem:s15], [sflag:$0x5], $0x4000, $0x38;
	[tilespmem:$0x8200] =	vst v63  }
0x26: {  	_ =	swait.ge [sflag:s18], $0x4000  }
0x27: {  	[sflag:s18] =	ssyncset.done $0x0  }
0x28: {  	[sflag:s18] =	ssyncadd.s32 $0xFFFFC000  }
0x29: {  	[tilespmem:s12], [sflag:$0x2] =	stream.indirect.gather [hbm4b:s1+s6], $0x80, s8, s6, $0xb8;
	[tilespmem:$0x8200] =	vst v63  }
0x2a: {  	_ =	swait.ge [sflag:s13], $0x4000  }
0x2b: {  	s19 =	sshll.u32 s19, $0x4;
	[sflag:s13] =	ssyncset.done $0x0  }
0x2c: {  	s20 =	sadd.s32 s23, s19;
	s19 =	simm.s32 $0x5;
	[sflag:s13] =	ssyncadd.s32 $0xFFFFC000  }
0x2d: {  	[hbm4b:s20+s3] =	stream.linear.scatter [tilespmem:s12], [sflag:$0x4], $0x4000, $0x38;
	[tilespmem:$0x8200] =	vst v63  }
0x2e: {  	_ =	swait.ge [sflag:s19], $0x4000  }
0x2f: {  	s24 =	ssub.s32 $0x2, s21;
	[sflag:s19] =	ssyncset.done $0x0  }
0x30: {  	s31 =	sshrl.u32 s24, $0x1;
	s22 =	sshll.u32 s22, $0x4;
	[sflag:s19] =	ssyncadd.s32 $0xFFFFC000  }
0x31: {  	[tilespmem:s15], [sflag:$0x3] =	stream.indirect.gather [hbm4b:s1+s6], $0x80, s10, s6, $0xb8;
	[tilespmem:$0x8200] =	vst v63  }
0x32: {  	s21 =	sadd.s32 s23, s22;
	s22 =	ssub.s32 s24, s31;
	_ =	swait.ge [sflag:s16], $0x4000  }
0x33: {  	s22 =	smax.u32 s22, $0x1;
	[sflag:s16] =	ssyncset.done $0x0  }
0x34: {  	p0 =	sne.s32 s22, $0x1;
	[sflag:s16] =	ssyncadd.s32 $0xFFFFC000  }
0x35: {  	[hbm4b:s21+s3] =	stream.linear.scatter [tilespmem:s15], [sflag:$0x5], $0x4000, $0x38;
	[tilespmem:$0x8200] =	vst v63  }
.Ltmp0:
0x36: {  	_ =	swait.ge [sflag:s18], $0x4000;
	(pc) =	sbr.rel @!p0 .LBB2_2-.Ltmp0, $4  }
0x37: {  	[sflag:s18] =	ssyncset.done $0x0  }
0x38: {  	[sflag:s18] =	ssyncadd.s32 $0xFFFFC000  }
0x39: {  	_ =	swait.ge [sflag:s19], $0x4000  }
0x3a: {  	s22 =	sadd.s32 $0xFFFFFFFF, s22;
	[sflag:s19] =	ssyncset.done $0x0  }
.LBB2_1:
0x3b: {  	p0 =	sne.s32 s22, $0x1;
	s22 =	sadd.s32 $0xFFFFFFFF, s22;
	[sflag:s19] =	ssyncadd.s32 $0xFFFFC000  }
0x3c: {  	[tilespmem:s3], [sflag:$0x1] =	stream.linear.gather [hbm4b:s4+s3], $0x80, $0x38;
	[tilespmem:$0x8200] =	vst v63  }
0x3d: {  	_ = 	snop  }
0x3e: {  	[tilespmem:s6], [sflag:$0x1] =	stream.linear.gather [hbm4b:s5+s3], $0x80, $0x38;
	[tilespmem:$0x8200] =	vst v63  }
0x3f: {  	_ = 	snop  }
0x40: {  	[tilespmem:s8], [sflag:$0x1] =	stream.linear.gather [hbm4b:s7+s3], $0x80, $0x38;
	[tilespmem:$0x8200] =	vst v63  }
0x41: {  	_ = 	snop  }
0x42: {  	[tilespmem:s10], [sflag:$0x1] =	stream.linear.gather [hbm4b:s9+s3], $0x80, $0x38;
	[tilespmem:$0x8200] =	vst v63  }
0x43: {  	_ =	swait.ge [sflag:s11], $0x80  }
0x44: {  	[sflag:s11] =	ssyncset.done $0x0  }
0x45: {  	[sflag:s11] =	ssyncadd.s32 $0xFFFFFF80  }
0x46: {  	_ =	swait.ge [sflag:s11], $0x80  }
0x47: {  	[sflag:s11] =	ssyncset.done $0x0  }
0x48: {  	[sflag:s11] =	ssyncadd.s32 $0xFFFFFF80  }
0x49: {  	_ =	swait.ge [sflag:s11], $0x80  }
0x4a: {  	[sflag:s11] =	ssyncset.done $0x0  }
0x4b: {  	[sflag:s11] =	ssyncadd.s32 $0xFFFFFF80  }
0x4c: {  	_ =	swait.ge [sflag:s11], $0x80  }
0x4d: {  	[sflag:s11] =	ssyncset.done $0x0  }
0x4e: {  	[sflag:s11] =	ssyncadd.s32 $0xFFFFFF80  }
0x4f: {  	[tilespmem:s12], [sflag:$0x2] =	stream.indirect.gather [hbm4b:s1+s6], $0x80, s3, s6, $0xb8;
	[tilespmem:$0x8200] =	vst v63  }
0x50: {  	_ =	swait.ge [sflag:s13], $0x4000  }
0x51: {  	[sflag:s13] =	ssyncset.done $0x0  }
0x52: {  	[sflag:s13] =	ssyncadd.s32 $0xFFFFC000  }
0x53: {  	[hbm4b:s14+s3] =	stream.linear.scatter [tilespmem:s12], [sflag:$0x4], $0x4000, $0x38;
	[tilespmem:$0x8200] =	vst v63  }
0x54: {  	_ = 	snop  }
0x55: {  	[tilespmem:s15], [sflag:$0x3] =	stream.indirect.gather [hbm4b:s1+s6], $0x80, s6, s6, $0xb8;
	[tilespmem:$0x8200] =	vst v63  }
0x56: {  	_ =	swait.ge [sflag:s16], $0x4000  }
0x57: {  	[sflag:s16] =	ssyncset.done $0x0  }
0x58: {  	[sflag:s16] =	ssyncadd.s32 $0xFFFFC000  }
0x59: {  	[hbm4b:s17+s3] =	stream.linear.scatter [tilespmem:s15], [sflag:$0x5], $0x4000, $0x38;
	[tilespmem:$0x8200] =	vst v63  }
0x5a: {  	_ =	swait.ge [sflag:s18], $0x4000  }
0x5b: {  	[sflag:s18] =	ssyncset.done $0x0  }
0x5c: {  	[sflag:s18] =	ssyncadd.s32 $0xFFFFC000  }
0x5d: {  	[tilespmem:s12], [sflag:$0x2] =	stream.indirect.gather [hbm4b:s1+s6], $0x80, s8, s6, $0xb8;
	[tilespmem:$0x8200] =	vst v63  }
0x5e: {  	_ =	swait.ge [sflag:s13], $0x4000  }
0x5f: {  	[sflag:s13] =	ssyncset.done $0x0  }
0x60: {  	[sflag:s13] =	ssyncadd.s32 $0xFFFFC000  }
0x61: {  	[hbm4b:s20+s3] =	stream.linear.scatter [tilespmem:s12], [sflag:$0x4], $0x4000, $0x38;
	[tilespmem:$0x8200] =	vst v63  }
0x62: {  	_ =	swait.ge [sflag:s19], $0x4000  }
0x63: {  	[sflag:s19] =	ssyncset.done $0x0  }
0x64: {  	[sflag:s19] =	ssyncadd.s32 $0xFFFFC000  }
0x65: {  	[tilespmem:s15], [sflag:$0x3] =	stream.indirect.gather [hbm4b:s1+s6], $0x80, s10, s6, $0xb8;
	[tilespmem:$0x8200] =	vst v63  }
0x66: {  	_ =	swait.ge [sflag:s16], $0x4000  }
0x67: {  	[sflag:s16] =	ssyncset.done $0x0  }
0x68: {  	[sflag:s16] =	ssyncadd.s32 $0xFFFFC000  }
0x69: {  	[hbm4b:s21+s3] =	stream.linear.scatter [tilespmem:s15], [sflag:$0x5], $0x4000, $0x38;
	[tilespmem:$0x8200] =	vst v63  }
.Ltmp1:
0x6a: {  	_ =	swait.ge [sflag:s18], $0x4000;
	(pc) =	sbr.rel @p0 .LBB2_1-.Ltmp1, $4  }
0x6b: {  	[sflag:s18] =	ssyncset.done $0x0  }
0x6c: {  	[sflag:s18] =	ssyncadd.s32 $0xFFFFC000  }
0x6d: {  	_ =	swait.ge [sflag:s19], $0x4000  }
0x6e: {  	[sflag:s19] =	ssyncset.done $0x0  }
.LBB2_2:
0x6f: {  	[sflag:s19] =	ssyncadd.s32 $0xFFFFC000  }
0x70: {  	_ =	sfence.sel $0x180000  }
0x71: {  	[bflag:$0x0] =	sbarrier.arrive $0xFFFF  }
0x72: {  	p0 =	sne.s32 s0, $0x0;
	_ =	strace $0x90000047  }
0x73: {  	s0 =	sadd.s32 @!p0 $0x100000, s2;
	[bflag:$0x2] =	sbarrier.arrive $0xFFFF  }
0x74: {  	[sflag:s0] =	ssyncadd.tile.s32 @!p0 $0x1;
	_ =	shalt  }
.Lfunc_end2:
_tile_overlayer_lowered:
.L_overlay_start_2:
0x75: {  	(tag) =	ssettag $0x2  }
0x76: {  	s0 =	rddreg [dreg:$0x0];
	s2 =	stileid.u32  }
0x77: {  	s1 =	rddreg [dreg:$0x1];
	p0 =	sne.s32 s2, $0x0  }
0x78: {  	s3 =	rddreg [dreg:$0x2];
	[bflag:$0x3] =	sbarrier.arrive $0xFFFF;
	s2 =	simm.s32 @!p0 $0x1C06  }
0x79: {  	[timem:s3], [sflag:s2] =	dma.local @!p0 [hbm:s0], s1  }
0x7a: {  	s0 =	simm.s32 @!p0 $0x6  }
0x7b: {  	_ =	swait.ge @!p0 [sflag:s0], s1  }
0x7c: {  	s1 =	ssub.s32 @!p0 $0x0, s1;
	[sflag:s0] =	ssyncset.done @!p0 $0x0  }
0x7d: {  	[sflag:s0] =	ssyncadd.s32 @!p0 s1  }
0x7e: {  	[bflag:$0x3] =	sbarrier.arrive $0xFFFF  }
0x7f: {  	_ =	shalt  }

</sc_bundles>
